<compile_context>
chip_gen: v7x
topology: tpu7x:2x2x1
jax: 0.10.2.dev20260603
libtpu: 0.0.44.dev20260713+nightly
codegen_flags: <defaults>
</compile_context>

<pallas_src>
import jax
import jax.numpy as jnp
from jax import lax
from jax.experimental import pallas as pl
from jax.experimental.pallas import tpu as pltpu
from jax.experimental.pallas import tpu_sc as plsc

_B = 16384
_D = 4096
_NC = 2
_NS = 16
_NW = _NC * _NS
_RPW = _B // _NW
_C = 8
_W = 2048
_NH = _D // _W
_NCH = (_RPW // _C) * _NH
_NBUF = 2
_LANES = 16


def _body(x_hbm, idx_hbm, m_hbm, out_hbm,
          idx_v, x_v, g_v, m_v, o_v, gsem, lsem, osem):
    wid = lax.axis_index("s") * _NC + lax.axis_index("c")
    base = wid * _RPW
    pltpu.sync_copy(idx_hbm.at[pl.ds(base, _RPW)], idx_v)

    m32 = m_hbm.bitcast(jnp.int32)

    def chunk_coords(ci):
        row0 = base + (ci // _NH) * _C
        col0 = pl.multiple_of((ci % _NH) * _W, _W)
        q0 = pl.multiple_of(row0 >> 2, 2)
        return row0, col0, q0

    def issue_in(ci, b):
        row0, col0, q0 = chunk_coords(ci)
        pltpu.async_copy(
            x_hbm.at[idx_v.at[pl.ds((ci // _NH) * _C, _C)],
                     pl.ds(col0, _W)],
            g_v.at[b], gsem.at[b])
        pltpu.async_copy(x_hbm.at[pl.ds(row0, _C), pl.ds(col0, _W)],
                         x_v.at[b], lsem.at[b])
        pltpu.async_copy(m32.at[pl.ds(q0, _C // 4), pl.ds(col0, _W)],
                         m_v.at[b], lsem.at[b])

    def wait_in(ci, b):
        row0, col0, q0 = chunk_coords(ci)
        pltpu.make_async_copy(
            x_hbm.at[idx_v.at[pl.ds((ci // _NH) * _C, _C)],
                     pl.ds(col0, _W)],
            g_v.at[b], gsem.at[b]).wait()
        pltpu.make_async_copy(x_hbm.at[pl.ds(row0, _C), pl.ds(col0, _W)],
                              x_v.at[b], lsem.at[b]).wait()
        pltpu.make_async_copy(m32.at[pl.ds(q0, _C // 4), pl.ds(col0, _W)],
                              m_v.at[b], lsem.at[b]).wait()

    def compute(b):
        def group(e, _):
            off = e * _LANES
            for q in range(_C // 4):
                mw = m_v[b, q, pl.ds(off, _LANES)]
                for s in range(4):
                    r = 4 * q + s
                    keep = (mw & jnp.int32(1 << (8 * s))) != 0
                    xv = x_v[b, r, pl.ds(off, _LANES)]
                    gv = g_v[b, r, pl.ds(off, _LANES)]
                    o_v[b, r, pl.ds(off, _LANES)] = jnp.where(keep, gv, xv)
            return ()

        lax.fori_loop(0, _W // _LANES, group, (), unroll=False)

    def issue_out(ci, b):
        row0, col0, _q = chunk_coords(ci)
        pltpu.async_copy(o_v.at[b],
                         out_hbm.at[pl.ds(row0, _C), pl.ds(col0, _W)],
                         osem.at[b])

    def wait_out(ci, b):
        row0, col0, _q = chunk_coords(ci)
        pltpu.make_async_copy(o_v.at[b],
                              out_hbm.at[pl.ds(row0, _C), pl.ds(col0, _W)],
                              osem.at[b]).wait()

    issue_in(0, 0)

    def step(i, _):
        for b in range(2):
            ci = 2 * i + b
            nb = 1 - b

            @pl.when(ci + 1 < _NCH)
            def _():
                issue_in(ci + 1, nb)

            wait_in(ci, b)

            @pl.when(ci >= 2)
            def _():
                wait_out(ci - 2, b)

            compute(b)
            issue_out(ci, b)
        return ()

    lax.fori_loop(0, _NCH // 2, step, (), unroll=False)
    wait_out(_NCH - 2, 0)
    wait_out(_NCH - 1, 1)


@jax.jit
def _cutmix_sc(x, idx, m8):
    mesh = plsc.VectorSubcoreMesh(core_axis_name="c", subcore_axis_name="s",
                                  num_cores=_NC, num_subcores=_NS)
    run = pl.kernel(
        _body,
        out_type=jax.ShapeDtypeStruct((_B, _D), jnp.float32),
        mesh=mesh,
        scratch_types=[
            pltpu.VMEM((_RPW,), jnp.int32),
            pltpu.VMEM((_NBUF, _C, _W), jnp.float32),
            pltpu.VMEM((_NBUF, _C, _W), jnp.float32),
            pltpu.VMEM((_NBUF, _C // 4, _W), jnp.int32),
            pltpu.VMEM((_NBUF, _C, _W), jnp.float32),
            pltpu.SemaphoreType.DMA((_NBUF,)),
            pltpu.SemaphoreType.DMA((_NBUF,)),
            pltpu.SemaphoreType.DMA((_NBUF,)),
        ],
    )
    return run(x, idx, m8)


def kernel(x, shuffled_idx, mask):
    return _cutmix_sc(x, shuffled_idx, mask.view(jnp.int8))

# --- scband reference (transcript-rebuilt; emitter-appended) ---
"""Pipeline reference for scband-cutmix-45990509806300 (READ-ONLY COPY).

The authoritative reference and input builder live on the scoring server;
editing this copy changes nothing except your own understanding.
"""

import jax, jax.numpy as jnp
import numpy as np

MASK_PROB = 0.1
BATCH = 16384
LENGTH = 4096


def generate_mask(key, batch_size, length, mask_prob):
    # Bernoulli mask: True where the shuffled (cutmix) row replaces the original.
    return jax.random.uniform(key, (batch_size, length)) < mask_prob


def masking(x, x_shuffled, mask):
    return jnp.where(mask, x_shuffled, x)


def setup_inputs(seed: int = 0) -> dict:
    key = jax.random.key(seed)
    kx, kidx, kmask = jax.random.split(key, 3)
    x = jax.random.normal(kx, (BATCH, LENGTH), dtype=jnp.float32)
    # torch.randint(0, batch_size, (batch_size,)) equivalent
    shuffled_idx = jax.random.randint(kidx, (BATCH,), 0, BATCH, dtype=jnp.int32)
    mask = generate_mask(kmask, BATCH, LENGTH, MASK_PROB)
    return {"x": x, "shuffled_idx": shuffled_idx, "mask": mask}


def reference(x, shuffled_idx, mask):
    # Cutmix.forward for a single input tensor:
    #   out = masking(x, x[shuffled_idx], mask)
    x_shuffled = jnp.take(x, shuffled_idx, axis=0)
    out = masking(x, x_shuffled, mask)
    return out

if __name__ == "__main__":
    import jax
    _d = setup_inputs()
    print(jax.jit(kernel)(*tuple(_d.values())))

</pallas_src>

<mosaic_0001>
#map = affine_map<(d0, d1) -> (0, 0)>
#map1 = affine_map<(d0, d1) -> (0)>
module attributes {stable_mosaic.version = 14 : i64} {
  func.func @_body(%arg0: i32, %arg1: i32, %arg2: memref<16384x4096xf32, #tpu.memory_space<hbm>>, %arg3: memref<16384xi32, #tpu.memory_space<hbm>>, %arg4: memref<16384x4096xi8, #tpu.memory_space<hbm>>, %arg5: memref<16384x4096xf32, #tpu.memory_space<hbm>>, %arg6: memref<512xi32, #tpu.memory_space<vmem>>, %arg7: memref<2x8x2048xf32, #tpu.memory_space<vmem>>, %arg8: memref<2x8x2048xf32, #tpu.memory_space<vmem>>, %arg9: memref<2x2x2048xi32, #tpu.memory_space<vmem>>, %arg10: memref<2x8x2048xf32, #tpu.memory_space<vmem>>, %arg11: memref<2x!tpu.dma_semaphore, #tpu.memory_space<semaphore_mem>>, %arg12: memref<2x!tpu.dma_semaphore, #tpu.memory_space<semaphore_mem>>, %arg13: memref<2x!tpu.dma_semaphore, #tpu.memory_space<semaphore_mem>>) attributes {dimension_semantics = [#tpu.dimension_semantics<core_parallel>, #tpu.dimension_semantics<subcore_parallel>], iteration_bounds = array<i64: 2, 16>, scalar_prefetch = 0 : i64, scratch_operands = 8 : i64, tpu.core_type = #tpu.core_type<sc_vector_subcore>, window_params = [{transform_indices = #map}, {transform_indices = #map1}, {transform_indices = #map}, {transform_indices = #map}]} {
    %mul3A = arith.constant 2 : i32
    %mul3A_0 = arith.muli %arg1, %mul3A : i32
    %add3A = arith.addi %mul3A_0, %arg0 : i32
    %mul3A_1 = arith.constant 512 : i32
    %mul3A_2 = arith.muli %add3A, %mul3A_1 : i32
    "tpu.region"() ({
      %run_scoped3A = tpu.sem_alloc : memref<!tpu.dma_semaphore, #tpu.memory_space<semaphore_mem>>
      %dma_start3A_94 = tpu.memref_slice %arg3[%mul3A_2] : memref<16384xi32, #tpu.memory_space<hbm>> -> memref<512xi32, #tpu.memory_space<hbm>>
      %dma_start3A_95 = tpu.memref_slice %arg3[%mul3A_2] : memref<16384xi32, #tpu.memory_space<hbm>> -> memref<512xi32, #tpu.memory_space<hbm>>
      tpu.enqueue_dma source(%dma_start3A_95 : memref<512xi32, #tpu.memory_space<hbm>>) target(%arg6 : memref<512xi32, #tpu.memory_space<vmem>>) target_semaphore(%run_scoped3A : memref<!tpu.dma_semaphore, #tpu.memory_space<semaphore_mem>>)
      %dma_wait3A_96 = tpu.memref_slice %arg3[%mul3A_2] : memref<16384xi32, #tpu.memory_space<hbm>> -> memref<512xi32, #tpu.memory_space<hbm>>
      %dma_wait3A_97 = tpu.memref_slice %arg3[%mul3A_2] : memref<16384xi32, #tpu.memory_space<hbm>> -> memref<512xi32, #tpu.memory_space<hbm>>
      tpu.wait_dma2 semaphore(%run_scoped3A : memref<!tpu.dma_semaphore, #tpu.memory_space<semaphore_mem>>) src(%dma_wait3A_97 : memref<512xi32, #tpu.memory_space<hbm>>) dst(%arg6 : memref<512xi32, #tpu.memory_space<vmem>>)
      tpu.yield
    }) : () -> ()
    %add3A_3 = arith.constant 0 : i32
    %add3A_4 = arith.addi %mul3A_2, %add3A_3 : i32
    %multiple_of3A = arith.constant 0 : i32
    %multiple_of3A_5 = tpu.assume_multiple %multiple_of3A, 2048 : i32
    %shift_right_arithmetic3A = arith.constant 2 : i32
    %shift_right_arithmetic3A_6 = arith.shrsi %add3A_4, %shift_right_arithmetic3A : i32
    %multiple_of3A_7 = tpu.assume_multiple %shift_right_arithmetic3A_6, 2 : i32
    %dma_start3A = arith.constant 0 : i32
    %dma_start3A_8 = arith.constant 0 : i32
    %dma_start3A_9 = arith.constant 0 : i32
    %dma_start3A_10 = arith.constant 0 : i32
    %dma_start3A_11 = tpu.memref_slice %arg8[%dma_start3A, %dma_start3A_9, %dma_start3A_10] : memref<2x8x2048xf32, #tpu.memory_space<vmem>> -> memref<1x8x2048xf32, #tpu.memory_space<vmem>>
    %dma_start3A_12 = tpu.memref_squeeze %dma_start3A_11 : memref<1x8x2048xf32, #tpu.memory_space<vmem>> -> memref<8x2048xf32, #tpu.memory_space<vmem>>
    %dma_start3A_13 = arith.constant 0 : i32
    %dma_start3A_14 = tpu.memref_slice %arg6[%dma_start3A_13] : memref<512xi32, #tpu.memory_space<vmem>> -> memref<8xi32, #tpu.memory_space<vmem>>
    %dma_start3A_15 = arith.constant 0 : i32
    %dma_start3A_16 = tpu.memref_slice %arg2[%dma_start3A_15, %multiple_of3A_5] : memref<16384x4096xf32, #tpu.memory_space<hbm>> -> memref<16384x2048xf32, #tpu.memory_space<hbm>>
    %dma_start3A_17 = tpu.memref_slice %arg11[%dma_start3A_8] : memref<2x!tpu.dma_semaphore, #tpu.memory_space<semaphore_mem>> -> memref<1x!tpu.dma_semaphore, #tpu.memory_space<semaphore_mem>>
    %dma_start3A_18 = tpu.memref_squeeze %dma_start3A_17 : memref<1x!tpu.dma_semaphore, #tpu.memory_space<semaphore_mem>> -> memref<!tpu.dma_semaphore, #tpu.memory_space<semaphore_mem>>
    tpu.enqueue_indirect_dma source(%dma_start3A_16 : memref<16384x2048xf32, #tpu.memory_space<hbm>>) target(%dma_start3A_12 : memref<8x2048xf32, #tpu.memory_space<vmem>>) offsets(%dma_start3A_14 : memref<8xi32, #tpu.memory_space<vmem>>) semaphore(%dma_start3A_18 : memref<!tpu.dma_semaphore, #tpu.memory_space<semaphore_mem>>)
    %dma_start3A_19 = arith.constant 0 : i32
    %dma_start3A_20 = arith.constant 0 : i32
    %dma_start3A_21 = arith.constant 0 : i32
    %dma_start3A_22 = arith.constant 0 : i32
    %dma_start3A_23 = tpu.memref_slice %arg7[%dma_start3A_19, %dma_start3A_21, %dma_start3A_22] : memref<2x8x2048xf32, #tpu.memory_space<vmem>> -> memref<1x8x2048xf32, #tpu.memory_space<vmem>>
    %dma_start3A_24 = tpu.memref_squeeze %dma_start3A_23 : memref<1x8x2048xf32, #tpu.memory_space<vmem>> -> memref<8x2048xf32, #tpu.memory_space<vmem>>
    %dma_start3A_25 = tpu.memref_slice %arg2[%add3A_4, %multiple_of3A_5] : memref<16384x4096xf32, #tpu.memory_space<hbm>> -> memref<8x2048xf32, #tpu.memory_space<hbm>>
    %dma_start3A_26 = tpu.memref_slice %arg12[%dma_start3A_20] : memref<2x!tpu.dma_semaphore, #tpu.memory_space<semaphore_mem>> -> memref<1x!tpu.dma_semaphore, #tpu.memory_space<semaphore_mem>>
    %dma_start3A_27 = tpu.memref_squeeze %dma_start3A_26 : memref<1x!tpu.dma_semaphore, #tpu.memory_space<semaphore_mem>> -> memref<!tpu.dma_semaphore, #tpu.memory_space<semaphore_mem>>
    %dma_start3A_28 = arith.constant 0 : i32
    %dma_start3A_29 = arith.constant 0 : i32
    %dma_start3A_30 = tpu.memref_slice %arg7[%dma_start3A_19, %dma_start3A_28, %dma_start3A_29] : memref<2x8x2048xf32, #tpu.memory_space<vmem>> -> memref<1x8x2048xf32, #tpu.memory_space<vmem>>
    %dma_start3A_31 = tpu.memref_squeeze %dma_start3A_30 : memref<1x8x2048xf32, #tpu.memory_space<vmem>> -> memref<8x2048xf32, #tpu.memory_space<vmem>>
    %dma_start3A_32 = tpu.memref_slice %arg2[%add3A_4, %multiple_of3A_5] : memref<16384x4096xf32, #tpu.memory_space<hbm>> -> memref<8x2048xf32, #tpu.memory_space<hbm>>
    tpu.enqueue_dma source(%dma_start3A_32 : memref<8x2048xf32, #tpu.memory_space<hbm>>) target(%dma_start3A_31 : memref<8x2048xf32, #tpu.memory_space<vmem>>) target_semaphore(%dma_start3A_27 : memref<!tpu.dma_semaphore, #tpu.memory_space<semaphore_mem>>)
    %dma_start3A_33 = arith.constant 0 : i32
    %dma_start3A_34 = arith.constant 0 : i32
    %dma_start3A_35 = arith.constant 0 : i32
    %dma_start3A_36 = arith.constant 0 : i32
    %dma_start3A_37 = tpu.memref_slice %arg9[%dma_start3A_33, %dma_start3A_35, %dma_start3A_36] : memref<2x2x2048xi32, #tpu.memory_space<vmem>> -> memref<1x2x2048xi32, #tpu.memory_space<vmem>>
    %dma_start3A_38 = tpu.memref_squeeze %dma_start3A_37 : memref<1x2x2048xi32, #tpu.memory_space<vmem>> -> memref<2x2048xi32, #tpu.memory_space<vmem>>
    %dma_start3A_39 = tpu.memref_bitcast %arg4 : memref<16384x4096xi8, #tpu.memory_space<hbm>> -> memref<4096x4096xi32, #tpu.memory_space<hbm>>
    %dma_start3A_40 = tpu.memref_slice %dma_start3A_39[%multiple_of3A_7, %multiple_of3A_5] : memref<4096x4096xi32, #tpu.memory_space<hbm>> -> memref<2x2048xi32, #tpu.memory_space<hbm>>
    %dma_start3A_41 = tpu.memref_slice %arg12[%dma_start3A_34] : memref<2x!tpu.dma_semaphore, #tpu.memory_space<semaphore_mem>> -> memref<1x!tpu.dma_semaphore, #tpu.memory_space<semaphore_mem>>
    %dma_start3A_42 = tpu.memref_squeeze %dma_start3A_41 : memref<1x!tpu.dma_semaphore, #tpu.memory_space<semaphore_mem>> -> memref<!tpu.dma_semaphore, #tpu.memory_space<semaphore_mem>>
    %dma_start3A_43 = arith.constant 0 : i32
    %dma_start3A_44 = arith.constant 0 : i32
    %dma_start3A_45 = tpu.memref_slice %arg9[%dma_start3A_33, %dma_start3A_43, %dma_start3A_44] : memref<2x2x2048xi32, #tpu.memory_space<vmem>> -> memref<1x2x2048xi32, #tpu.memory_space<vmem>>
    %dma_start3A_46 = tpu.memref_squeeze %dma_start3A_45 : memref<1x2x2048xi32, #tpu.memory_space<vmem>> -> memref<2x2048xi32, #tpu.memory_space<vmem>>
    %dma_start3A_47 = tpu.memref_bitcast %arg4 : memref<16384x4096xi8, #tpu.memory_space<hbm>> -> memref<4096x4096xi32, #tpu.memory_space<hbm>>
    %dma_start3A_48 = tpu.memref_slice %dma_start3A_47[%multiple_of3A_7, %multiple_of3A_5] : memref<4096x4096xi32, #tpu.memory_space<hbm>> -> memref<2x2048xi32, #tpu.memory_space<hbm>>
    tpu.enqueue_dma source(%dma_start3A_48 : memref<2x2048xi32, #tpu.memory_space<hbm>>) target(%dma_start3A_46 : memref<2x2048xi32, #tpu.memory_space<vmem>>) target_semaphore(%dma_start3A_42 : memref<!tpu.dma_semaphore, #tpu.memory_space<semaphore_mem>>)
    %scan3A = arith.constant 0 : i32
    %scan3A_49 = arith.constant 64 : i32
    %scan3A_50 = arith.addi %scan3A, %scan3A_49 : i32
    %scan3A_51 = arith.constant 1 : i32
    scf.for %scan3A_94 = %scan3A to %scan3A_50 step %scan3A_51  : i32 {
      %mul3A_95 = arith.constant 2 : i32
      %mul3A_96 = arith.muli %mul3A_95, %scan3A_94 : i32
      %add3A_97 = arith.constant 0 : i32
      %add3A_98 = arith.addi %mul3A_96, %add3A_97 : i32
      %add3A_99 = arith.constant 1 : i32
      %add3A_100 = arith.addi %add3A_98, %add3A_99 : i32
      %lt3A = arith.constant 128 : i32
      %lt3A_101 = arith.cmpi slt, %add3A_100, %lt3A : i32
      %convert_element_type3A = arith.extui %lt3A_101 : i1 to i32
      %cond3A = arith.constant 0 : i32
      %cond3A_102 = arith.cmpi ne, %convert_element_type3A, %cond3A : i32
      scf.if %cond3A_102 {
        %add3A_482 = arith.constant 1 : i32
        %add3A_483 = arith.addi %add3A_98, %add3A_482 : i32
        %jit3A_484 = arith.constant 2 : i32
        %div3A_485 = arith.divsi %add3A_483, %jit3A_484 : i32
        %sign3A_486 = arith.constant 0 : i32
        %sign3A_487 = arith.cmpi sgt, %add3A_483, %sign3A_486 : i32
        %sign3A_488 = arith.extui %sign3A_487 : i1 to i32
        %sign3A_489 = arith.constant 0 : i32
        %sign3A_490 = arith.cmpi slt, %add3A_483, %sign3A_489 : i32
        %sign3A_491 = arith.extui %sign3A_490 : i1 to i32
        %sign3A_492 = arith.subi %sign3A_488, %sign3A_491 : i32
        %sign3A_493 = arith.constant 0 : i32
        %sign3A_494 = arith.cmpi sgt, %jit3A_484, %sign3A_493 : i32
        %sign3A_495 = arith.extui %sign3A_494 : i1 to i32
        %sign3A_496 = arith.constant 0 : i32
        %sign3A_497 = arith.cmpi slt, %jit3A_484, %sign3A_496 : i32
        %sign3A_498 = arith.extui %sign3A_497 : i1 to i32
        %sign3A_499 = arith.subi %sign3A_495, %sign3A_498 : i32
        %ne3A_500 = arith.cmpi ne, %sign3A_492, %sign3A_499 : i32
        %rem3A_501 = arith.remsi %add3A_483, %jit3A_484 : i32
        %ne3A_502 = arith.constant 0 : i32
        %ne3A_503 = arith.cmpi ne, %rem3A_501, %ne3A_502 : i32
        %and3A_504 = arith.andi %ne3A_500, %ne3A_503 : i1
        %sub3A_505 = arith.constant 1 : i32
        %sub3A_506 = arith.subi %div3A_485, %sub3A_505 : i32
        %select_n3A_507 = arith.select %and3A_504, %sub3A_506, %div3A_485 : i32
        %mul3A_508 = arith.constant 8 : i32
        %mul3A_509 = arith.muli %select_n3A_507, %mul3A_508 : i32
        %add3A_510 = arith.addi %mul3A_2, %mul3A_509 : i32
        %jit3A_511 = arith.constant 2 : i32
        %eq3A_512 = arith.constant 0 : i32
        %eq3A_513 = arith.cmpi eq, %jit3A_511, %eq3A_512 : i32
        %jit3A_514 = arith.constant 1 : i32
        %select_n3A_515 = arith.select %eq3A_513, %jit3A_514, %jit3A_511 : i32
        %rem3A_516 = arith.remsi %add3A_483, %select_n3A_515 : i32
        %ne3A_517 = arith.constant 0 : i32
        %ne3A_518 = arith.cmpi ne, %rem3A_516, %ne3A_517 : i32
        %lt3A_519 = arith.constant 0 : i32
        %lt3A_520 = arith.cmpi slt, %rem3A_516, %lt3A_519 : i32
        %lt3A_521 = arith.constant 0 : i32
        %lt3A_522 = arith.cmpi slt, %select_n3A_515, %lt3A_521 : i32
        %ne3A_523 = arith.xori %lt3A_520, %lt3A_522 : i1
        %and3A_524 = arith.andi %ne3A_523, %ne3A_518 : i1
        %add3A_525 = arith.addi %rem3A_516, %select_n3A_515 : i32
        %select_n3A_526 = arith.select %and3A_524, %add3A_525, %rem3A_516 : i32
        %mul3A_527 = arith.constant 2048 : i32
        %mul3A_528 = arith.muli %select_n3A_526, %mul3A_527 : i32
        %multiple_of3A_529 = tpu.assume_multiple %mul3A_528, 2048 : i32
        %shift_right_arithmetic3A_530 = arith.constant 2 : i32
        %shift_right_arithmetic3A_531 = arith.shrsi %add3A_510, %shift_right_arithmetic3A_530 : i32
        %multiple_of3A_532 = tpu.assume_multiple %shift_right_arithmetic3A_531, 2 : i32
        %jit3A_533 = arith.constant 2 : i32
        %div3A_534 = arith.divsi %add3A_483, %jit3A_533 : i32
        %sign3A_535 = arith.constant 0 : i32
        %sign3A_536 = arith.cmpi sgt, %add3A_483, %sign3A_535 : i32
        %sign3A_537 = arith.extui %sign3A_536 : i1 to i32
        %sign3A_538 = arith.constant 0 : i32
        %sign3A_539 = arith.cmpi slt, %add3A_483, %sign3A_538 : i32
        %sign3A_540 = arith.extui %sign3A_539 : i1 to i32
        %sign3A_541 = arith.subi %sign3A_537, %sign3A_540 : i32
        %sign3A_542 = arith.constant 0 : i32
        %sign3A_543 = arith.cmpi sgt, %jit3A_533, %sign3A_542 : i32
        %sign3A_544 = arith.extui %sign3A_543 : i1 to i32
        %sign3A_545 = arith.constant 0 : i32
        %sign3A_546 = arith.cmpi slt, %jit3A_533, %sign3A_545 : i32
        %sign3A_547 = arith.extui %sign3A_546 : i1 to i32
        %sign3A_548 = arith.subi %sign3A_544, %sign3A_547 : i32
        %ne3A_549 = arith.cmpi ne, %sign3A_541, %sign3A_548 : i32
        %rem3A_550 = arith.remsi %add3A_483, %jit3A_533 : i32
        %ne3A_551 = arith.constant 0 : i32
        %ne3A_552 = arith.cmpi ne, %rem3A_550, %ne3A_551 : i32
        %and3A_553 = arith.andi %ne3A_549, %ne3A_552 : i1
        %sub3A_554 = arith.constant 1 : i32
        %sub3A_555 = arith.subi %div3A_534, %sub3A_554 : i32
        %select_n3A_556 = arith.select %and3A_553, %sub3A_555, %div3A_534 : i32
        %mul3A_557 = arith.constant 8 : i32
        %mul3A_558 = arith.muli %select_n3A_556, %mul3A_557 : i32
        %dma_start3A_559 = arith.constant 1 : i32
        %dma_start3A_560 = arith.constant 1 : i32
        %dma_start3A_561 = arith.constant 0 : i32
        %dma_start3A_562 = arith.constant 0 : i32
        %dma_start3A_563 = tpu.memref_slice %arg8[%dma_start3A_559, %dma_start3A_561, %dma_start3A_562] : memref<2x8x2048xf32, #tpu.memory_space<vmem>> -> memref<1x8x2048xf32, #tpu.memory_space<vmem>>
        %dma_start3A_564 = tpu.memref_squeeze %dma_start3A_563 : memref<1x8x2048xf32, #tpu.memory_space<vmem>> -> memref<8x2048xf32, #tpu.memory_space<vmem>>
        %dma_start3A_565 = tpu.memref_slice %arg6[%mul3A_558] : memref<512xi32, #tpu.memory_space<vmem>> -> memref<8xi32, #tpu.memory_space<vmem>>
        %dma_start3A_566 = arith.constant 0 : i32
        %dma_start3A_567 = tpu.memref_slice %arg2[%dma_start3A_566, %multiple_of3A_529] : memref<16384x4096xf32, #tpu.memory_space<hbm>> -> memref<16384x2048xf32, #tpu.memory_space<hbm>>
        %dma_start3A_568 = tpu.memref_slice %arg11[%dma_start3A_560] : memref<2x!tpu.dma_semaphore, #tpu.memory_space<semaphore_mem>> -> memref<1x!tpu.dma_semaphore, #tpu.memory_space<semaphore_mem>>
        %dma_start3A_569 = tpu.memref_squeeze %dma_start3A_568 : memref<1x!tpu.dma_semaphore, #tpu.memory_space<semaphore_mem>> -> memref<!tpu.dma_semaphore, #tpu.memory_space<semaphore_mem>>
        tpu.enqueue_indirect_dma source(%dma_start3A_567 : memref<16384x2048xf32, #tpu.memory_space<hbm>>) target(%dma_start3A_564 : memref<8x2048xf32, #tpu.memory_space<vmem>>) offsets(%dma_start3A_565 : memref<8xi32, #tpu.memory_space<vmem>>) semaphore(%dma_start3A_569 : memref<!tpu.dma_semaphore, #tpu.memory_space<semaphore_mem>>)
        %dma_start3A_570 = arith.constant 1 : i32
        %dma_start3A_571 = arith.constant 1 : i32
        %dma_start3A_572 = arith.constant 0 : i32
        %dma_start3A_573 = arith.constant 0 : i32
        %dma_start3A_574 = tpu.memref_slice %arg7[%dma_start3A_570, %dma_start3A_572, %dma_start3A_573] : memref<2x8x2048xf32, #tpu.memory_space<vmem>> -> memref<1x8x2048xf32, #tpu.memory_space<vmem>>
        %dma_start3A_575 = tpu.memref_squeeze %dma_start3A_574 : memref<1x8x2048xf32, #tpu.memory_space<vmem>> -> memref<8x2048xf32, #tpu.memory_space<vmem>>
        %dma_start3A_576 = tpu.memref_slice %arg2[%add3A_510, %multiple_of3A_529] : memref<16384x4096xf32, #tpu.memory_space<hbm>> -> memref<8x2048xf32, #tpu.memory_space<hbm>>
        %dma_start3A_577 = tpu.memref_slice %arg12[%dma_start3A_571] : memref<2x!tpu.dma_semaphore, #tpu.memory_space<semaphore_mem>> -> memref<1x!tpu.dma_semaphore, #tpu.memory_space<semaphore_mem>>
        %dma_start3A_578 = tpu.memref_squeeze %dma_start3A_577 : memref<1x!tpu.dma_semaphore, #tpu.memory_space<semaphore_mem>> -> memref<!tpu.dma_semaphore, #tpu.memory_space<semaphore_mem>>
        %dma_start3A_579 = arith.constant 0 : i32
        %dma_start3A_580 = arith.constant 0 : i32
        %dma_start3A_581 = tpu.memref_slice %arg7[%dma_start3A_570, %dma_start3A_579, %dma_start3A_580] : memref<2x8x2048xf32, #tpu.memory_space<vmem>> -> memref<1x8x2048xf32, #tpu.memory_space<vmem>>
        %dma_start3A_582 = tpu.memref_squeeze %dma_start3A_581 : memref<1x8x2048xf32, #tpu.memory_space<vmem>> -> memref<8x2048xf32, #tpu.memory_space<vmem>>
        %dma_start3A_583 = tpu.memref_slice %arg2[%add3A_510, %multiple_of3A_529] : memref<16384x4096xf32, #tpu.memory_space<hbm>> -> memref<8x2048xf32, #tpu.memory_space<hbm>>
        tpu.enqueue_dma source(%dma_start3A_583 : memref<8x2048xf32, #tpu.memory_space<hbm>>) target(%dma_start3A_582 : memref<8x2048xf32, #tpu.memory_space<vmem>>) target_semaphore(%dma_start3A_578 : memref<!tpu.dma_semaphore, #tpu.memory_space<semaphore_mem>>)
        %dma_start3A_584 = arith.constant 1 : i32
        %dma_start3A_585 = arith.constant 1 : i32
        %dma_start3A_586 = arith.constant 0 : i32
        %dma_start3A_587 = arith.constant 0 : i32
        %dma_start3A_588 = tpu.memref_slice %arg9[%dma_start3A_584, %dma_start3A_586, %dma_start3A_587] : memref<2x2x2048xi32, #tpu.memory_space<vmem>> -> memref<1x2x2048xi32, #tpu.memory_space<vmem>>
        %dma_start3A_589 = tpu.memref_squeeze %dma_start3A_588 : memref<1x2x2048xi32, #tpu.memory_space<vmem>> -> memref<2x2048xi32, #tpu.memory_space<vmem>>
        %dma_start3A_590 = tpu.memref_bitcast %arg4 : memref<16384x4096xi8, #tpu.memory_space<hbm>> -> memref<4096x4096xi32, #tpu.memory_space<hbm>>
        %dma_start3A_591 = tpu.memref_slice %dma_start3A_590[%multiple_of3A_532, %multiple_of3A_529] : memref<4096x4096xi32, #tpu.memory_space<hbm>> -> memref<2x2048xi32, #tpu.memory_space<hbm>>
        %dma_start3A_592 = tpu.memref_slice %arg12[%dma_start3A_585] : memref<2x!tpu.dma_semaphore, #tpu.memory_space<semaphore_mem>> -> memref<1x!tpu.dma_semaphore, #tpu.memory_space<semaphore_mem>>
        %dma_start3A_593 = tpu.memref_squeeze %dma_start3A_592 : memref<1x!tpu.dma_semaphore, #tpu.memory_space<semaphore_mem>> -> memref<!tpu.dma_semaphore, #tpu.memory_space<semaphore_mem>>
        %dma_start3A_594 = arith.constant 0 : i32
        %dma_start3A_595 = arith.constant 0 : i32
        %dma_start3A_596 = tpu.memref_slice %arg9[%dma_start3A_584, %dma_start3A_594, %dma_start3A_595] : memref<2x2x2048xi32, #tpu.memory_space<vmem>> -> memref<1x2x2048xi32, #tpu.memory_space<vmem>>
        %dma_start3A_597 = tpu.memref_squeeze %dma_start3A_596 : memref<1x2x2048xi32, #tpu.memory_space<vmem>> -> memref<2x2048xi32, #tpu.memory_space<vmem>>
        %dma_start3A_598 = tpu.memref_bitcast %arg4 : memref<16384x4096xi8, #tpu.memory_space<hbm>> -> memref<4096x4096xi32, #tpu.memory_space<hbm>>
        %dma_start3A_599 = tpu.memref_slice %dma_start3A_598[%multiple_of3A_532, %multiple_of3A_529] : memref<4096x4096xi32, #tpu.memory_space<hbm>> -> memref<2x2048xi32, #tpu.memory_space<hbm>>
        tpu.enqueue_dma source(%dma_start3A_599 : memref<2x2048xi32, #tpu.memory_space<hbm>>) target(%dma_start3A_597 : memref<2x2048xi32, #tpu.memory_space<vmem>>) target_semaphore(%dma_start3A_593 : memref<!tpu.dma_semaphore, #tpu.memory_space<semaphore_mem>>)
      } else {
      }
      %jit3A = arith.constant 2 : i32
      %div3A = arith.divsi %add3A_98, %jit3A : i32
      %sign3A = arith.constant 0 : i32
      %sign3A_103 = arith.cmpi sgt, %add3A_98, %sign3A : i32
      %sign3A_104 = arith.extui %sign3A_103 : i1 to i32
      %sign3A_105 = arith.constant 0 : i32
      %sign3A_106 = arith.cmpi slt, %add3A_98, %sign3A_105 : i32
      %sign3A_107 = arith.extui %sign3A_106 : i1 to i32
      %sign3A_108 = arith.subi %sign3A_104, %sign3A_107 : i32
      %sign3A_109 = arith.constant 0 : i32
      %sign3A_110 = arith.cmpi sgt, %jit3A, %sign3A_109 : i32
      %sign3A_111 = arith.extui %sign3A_110 : i1 to i32
      %sign3A_112 = arith.constant 0 : i32
      %sign3A_113 = arith.cmpi slt, %jit3A, %sign3A_112 : i32
      %sign3A_114 = arith.extui %sign3A_113 : i1 to i32
      %sign3A_115 = arith.subi %sign3A_111, %sign3A_114 : i32
      %ne3A = arith.cmpi ne, %sign3A_108, %sign3A_115 : i32
      %rem3A = arith.remsi %add3A_98, %jit3A : i32
      %ne3A_116 = arith.constant 0 : i32
      %ne3A_117 = arith.cmpi ne, %rem3A, %ne3A_116 : i32
      %and3A = arith.andi %ne3A, %ne3A_117 : i1
      %sub3A = arith.constant 1 : i32
      %sub3A_118 = arith.subi %div3A, %sub3A : i32
      %select_n3A = arith.select %and3A, %sub3A_118, %div3A : i32
      %mul3A_119 = arith.constant 8 : i32
      %mul3A_120 = arith.muli %select_n3A, %mul3A_119 : i32
      %add3A_121 = arith.addi %mul3A_2, %mul3A_120 : i32
      %jit3A_122 = arith.constant 2 : i32
      %eq3A = arith.constant 0 : i32
      %eq3A_123 = arith.cmpi eq, %jit3A_122, %eq3A : i32
      %jit3A_124 = arith.constant 1 : i32
      %select_n3A_125 = arith.select %eq3A_123, %jit3A_124, %jit3A_122 : i32
      %rem3A_126 = arith.remsi %add3A_98, %select_n3A_125 : i32
      %ne3A_127 = arith.constant 0 : i32
      %ne3A_128 = arith.cmpi ne, %rem3A_126, %ne3A_127 : i32
      %lt3A_129 = arith.constant 0 : i32
      %lt3A_130 = arith.cmpi slt, %rem3A_126, %lt3A_129 : i32
      %lt3A_131 = arith.constant 0 : i32
      %lt3A_132 = arith.cmpi slt, %select_n3A_125, %lt3A_131 : i32
      %ne3A_133 = arith.xori %lt3A_130, %lt3A_132 : i1
      %and3A_134 = arith.andi %ne3A_133, %ne3A_128 : i1
      %add3A_135 = arith.addi %rem3A_126, %select_n3A_125 : i32
      %select_n3A_136 = arith.select %and3A_134, %add3A_135, %rem3A_126 : i32
      %mul3A_137 = arith.constant 2048 : i32
      %mul3A_138 = arith.muli %select_n3A_136, %mul3A_137 : i32
      %multiple_of3A_139 = tpu.assume_multiple %mul3A_138, 2048 : i32
      %shift_right_arithmetic3A_140 = arith.constant 2 : i32
      %shift_right_arithmetic3A_141 = arith.shrsi %add3A_121, %shift_right_arithmetic3A_140 : i32
      %multiple_of3A_142 = tpu.assume_multiple %shift_right_arithmetic3A_141, 2 : i32
      %jit3A_143 = arith.constant 2 : i32
      %div3A_144 = arith.divsi %add3A_98, %jit3A_143 : i32
      %sign3A_145 = arith.constant 0 : i32
      %sign3A_146 = arith.cmpi sgt, %add3A_98, %sign3A_145 : i32
      %sign3A_147 = arith.extui %sign3A_146 : i1 to i32
      %sign3A_148 = arith.constant 0 : i32
      %sign3A_149 = arith.cmpi slt, %add3A_98, %sign3A_148 : i32
      %sign3A_150 = arith.extui %sign3A_149 : i1 to i32
      %sign3A_151 = arith.subi %sign3A_147, %sign3A_150 : i32
      %sign3A_152 = arith.constant 0 : i32
      %sign3A_153 = arith.cmpi sgt, %jit3A_143, %sign3A_152 : i32
      %sign3A_154 = arith.extui %sign3A_153 : i1 to i32
      %sign3A_155 = arith.constant 0 : i32
      %sign3A_156 = arith.cmpi slt, %jit3A_143, %sign3A_155 : i32
      %sign3A_157 = arith.extui %sign3A_156 : i1 to i32
      %sign3A_158 = arith.subi %sign3A_154, %sign3A_157 : i32
      %ne3A_159 = arith.cmpi ne, %sign3A_151, %sign3A_158 : i32
      %rem3A_160 = arith.remsi %add3A_98, %jit3A_143 : i32
      %ne3A_161 = arith.constant 0 : i32
      %ne3A_162 = arith.cmpi ne, %rem3A_160, %ne3A_161 : i32
      %and3A_163 = arith.andi %ne3A_159, %ne3A_162 : i1
      %sub3A_164 = arith.constant 1 : i32
      %sub3A_165 = arith.subi %div3A_144, %sub3A_164 : i32
      %select_n3A_166 = arith.select %and3A_163, %sub3A_165, %div3A_144 : i32
      %mul3A_167 = arith.constant 8 : i32
      %mul3A_168 = arith.muli %select_n3A_166, %mul3A_167 : i32
      %dma_wait3A_169 = arith.constant 0 : i32
      %dma_wait3A_170 = arith.constant 0 : i32
      %dma_wait3A_171 = arith.constant 0 : i32
      %dma_wait3A_172 = arith.constant 0 : i32
      %dma_wait3A_173 = tpu.memref_slice %arg8[%dma_wait3A_169, %dma_wait3A_171, %dma_wait3A_172] : memref<2x8x2048xf32, #tpu.memory_space<vmem>> -> memref<1x8x2048xf32, #tpu.memory_space<vmem>>
      %dma_wait3A_174 = tpu.memref_squeeze %dma_wait3A_173 : memref<1x8x2048xf32, #tpu.memory_space<vmem>> -> memref<8x2048xf32, #tpu.memory_space<vmem>>
      %dma_wait3A_175 = tpu.memref_slice %arg6[%mul3A_168] : memref<512xi32, #tpu.memory_space<vmem>> -> memref<8xi32, #tpu.memory_space<vmem>>
      %dma_wait3A_176 = arith.constant 0 : i32
      %dma_wait3A_177 = tpu.memref_slice %arg2[%dma_wait3A_176, %multiple_of3A_139] : memref<16384x4096xf32, #tpu.memory_space<hbm>> -> memref<16384x2048xf32, #tpu.memory_space<hbm>>
      %dma_wait3A_178 = tpu.memref_slice %arg11[%dma_wait3A_170] : memref<2x!tpu.dma_semaphore, #tpu.memory_space<semaphore_mem>> -> memref<1x!tpu.dma_semaphore, #tpu.memory_space<semaphore_mem>>
      %dma_wait3A_179 = tpu.memref_squeeze %dma_wait3A_178 : memref<1x!tpu.dma_semaphore, #tpu.memory_space<semaphore_mem>> -> memref<!tpu.dma_semaphore, #tpu.memory_space<semaphore_mem>>
      tpu.wait_indirect_dma semaphore(%dma_wait3A_179 : memref<!tpu.dma_semaphore, #tpu.memory_space<semaphore_mem>>) src(%dma_wait3A_177 : memref<16384x2048xf32, #tpu.memory_space<hbm>>) dst(%dma_wait3A_174 : memref<8x2048xf32, #tpu.memory_space<vmem>>)
      %dma_wait3A_180 = arith.constant 0 : i32
      %dma_wait3A_181 = arith.constant 0 : i32
      %dma_wait3A_182 = arith.constant 0 : i32
      %dma_wait3A_183 = arith.constant 0 : i32
      %dma_wait3A_184 = tpu.memref_slice %arg7[%dma_wait3A_180, %dma_wait3A_182, %dma_wait3A_183] : memref<2x8x2048xf32, #tpu.memory_space<vmem>> -> memref<1x8x2048xf32, #tpu.memory_space<vmem>>
      %dma_wait3A_185 = tpu.memref_squeeze %dma_wait3A_184 : memref<1x8x2048xf32, #tpu.memory_space<vmem>> -> memref<8x2048xf32, #tpu.memory_space<vmem>>
      %dma_wait3A_186 = tpu.memref_slice %arg2[%add3A_121, %multiple_of3A_139] : memref<16384x4096xf32, #tpu.memory_space<hbm>> -> memref<8x2048xf32, #tpu.memory_space<hbm>>
      %dma_wait3A_187 = tpu.memref_slice %arg12[%dma_wait3A_181] : memref<2x!tpu.dma_semaphore, #tpu.memory_space<semaphore_mem>> -> memref<1x!tpu.dma_semaphore, #tpu.memory_space<semaphore_mem>>
      %dma_wait3A_188 = tpu.memref_squeeze %dma_wait3A_187 : memref<1x!tpu.dma_semaphore, #tpu.memory_space<semaphore_mem>> -> memref<!tpu.dma_semaphore, #tpu.memory_space<semaphore_mem>>
      %dma_wait3A_189 = arith.constant 0 : i32
      %dma_wait3A_190 = arith.constant 0 : i32
      %dma_wait3A_191 = tpu.memref_slice %arg7[%dma_wait3A_180, %dma_wait3A_189, %dma_wait3A_190] : memref<2x8x2048xf32, #tpu.memory_space<vmem>> -> memref<1x8x2048xf32, #tpu.memory_space<vmem>>
      %dma_wait3A_192 = tpu.memref_squeeze %dma_wait3A_191 : memref<1x8x2048xf32, #tpu.memory_space<vmem>> -> memref<8x2048xf32, #tpu.memory_space<vmem>>
      %dma_wait3A_193 = tpu.memref_slice %arg2[%add3A_121, %multiple_of3A_139] : memref<16384x4096xf32, #tpu.memory_space<hbm>> -> memref<8x2048xf32, #tpu.memory_space<hbm>>
      tpu.wait_dma2 semaphore(%dma_wait3A_188 : memref<!tpu.dma_semaphore, #tpu.memory_space<semaphore_mem>>) src(%dma_wait3A_193 : memref<8x2048xf32, #tpu.memory_space<hbm>>) dst(%dma_wait3A_192 : memref<8x2048xf32, #tpu.memory_space<vmem>>)
      %dma_wait3A_194 = arith.constant 0 : i32
      %dma_wait3A_195 = arith.constant 0 : i32
      %dma_wait3A_196 = arith.constant 0 : i32
      %dma_wait3A_197 = arith.constant 0 : i32
      %dma_wait3A_198 = tpu.memref_slice %arg9[%dma_wait3A_194, %dma_wait3A_196, %dma_wait3A_197] : memref<2x2x2048xi32, #tpu.memory_space<vmem>> -> memref<1x2x2048xi32, #tpu.memory_space<vmem>>
      %dma_wait3A_199 = tpu.memref_squeeze %dma_wait3A_198 : memref<1x2x2048xi32, #tpu.memory_space<vmem>> -> memref<2x2048xi32, #tpu.memory_space<vmem>>
      %dma_wait3A_200 = tpu.memref_bitcast %arg4 : memref<16384x4096xi8, #tpu.memory_space<hbm>> -> memref<4096x4096xi32, #tpu.memory_space<hbm>>
      %dma_wait3A_201 = tpu.memref_slice %dma_wait3A_200[%multiple_of3A_142, %multiple_of3A_139] : memref<4096x4096xi32, #tpu.memory_space<hbm>> -> memref<2x2048xi32, #tpu.memory_space<hbm>>
      %dma_wait3A_202 = tpu.memref_slice %arg12[%dma_wait3A_195] : memref<2x!tpu.dma_semaphore, #tpu.memory_space<semaphore_mem>> -> memref<1x!tpu.dma_semaphore, #tpu.memory_space<semaphore_mem>>
      %dma_wait3A_203 = tpu.memref_squeeze %dma_wait3A_202 : memref<1x!tpu.dma_semaphore, #tpu.memory_space<semaphore_mem>> -> memref<!tpu.dma_semaphore, #tpu.memory_space<semaphore_mem>>
      %dma_wait3A_204 = arith.constant 0 : i32
      %dma_wait3A_205 = arith.constant 0 : i32
      %dma_wait3A_206 = tpu.memref_slice %arg9[%dma_wait3A_194, %dma_wait3A_204, %dma_wait3A_205] : memref<2x2x2048xi32, #tpu.memory_space<vmem>> -> memref<1x2x2048xi32, #tpu.memory_space<vmem>>
      %dma_wait3A_207 = tpu.memref_squeeze %dma_wait3A_206 : memref<1x2x2048xi32, #tpu.memory_space<vmem>> -> memref<2x2048xi32, #tpu.memory_space<vmem>>
      %dma_wait3A_208 = tpu.memref_bitcast %arg4 : memref<16384x4096xi8, #tpu.memory_space<hbm>> -> memref<4096x4096xi32, #tpu.memory_space<hbm>>
      %dma_wait3A_209 = tpu.memref_slice %dma_wait3A_208[%multiple_of3A_142, %multiple_of3A_139] : memref<4096x4096xi32, #tpu.memory_space<hbm>> -> memref<2x2048xi32, #tpu.memory_space<hbm>>
      tpu.wait_dma2 semaphore(%dma_wait3A_203 : memref<!tpu.dma_semaphore, #tpu.memory_space<semaphore_mem>>) src(%dma_wait3A_209 : memref<2x2048xi32, #tpu.memory_space<hbm>>) dst(%dma_wait3A_207 : memref<2x2048xi32, #tpu.memory_space<vmem>>)
      %ge3A = arith.constant 2 : i32
      %ge3A_210 = arith.cmpi sge, %add3A_98, %ge3A : i32
      %convert_element_type3A_211 = arith.extui %ge3A_210 : i1 to i32
      %cond3A_212 = arith.constant 0 : i32
      %cond3A_213 = arith.cmpi ne, %convert_element_type3A_211, %cond3A_212 : i32
      scf.if %cond3A_213 {
        %sub3A_482 = arith.constant 2 : i32
        %sub3A_483 = arith.subi %add3A_98, %sub3A_482 : i32
        %jit3A_484 = arith.constant 2 : i32
        %div3A_485 = arith.divsi %sub3A_483, %jit3A_484 : i32
        %sign3A_486 = arith.constant 0 : i32
        %sign3A_487 = arith.cmpi sgt, %sub3A_483, %sign3A_486 : i32
        %sign3A_488 = arith.extui %sign3A_487 : i1 to i32
        %sign3A_489 = arith.constant 0 : i32
        %sign3A_490 = arith.cmpi slt, %sub3A_483, %sign3A_489 : i32
        %sign3A_491 = arith.extui %sign3A_490 : i1 to i32
        %sign3A_492 = arith.subi %sign3A_488, %sign3A_491 : i32
        %sign3A_493 = arith.constant 0 : i32
        %sign3A_494 = arith.cmpi sgt, %jit3A_484, %sign3A_493 : i32
        %sign3A_495 = arith.extui %sign3A_494 : i1 to i32
        %sign3A_496 = arith.constant 0 : i32
        %sign3A_497 = arith.cmpi slt, %jit3A_484, %sign3A_496 : i32
        %sign3A_498 = arith.extui %sign3A_497 : i1 to i32
        %sign3A_499 = arith.subi %sign3A_495, %sign3A_498 : i32
        %ne3A_500 = arith.cmpi ne, %sign3A_492, %sign3A_499 : i32
        %rem3A_501 = arith.remsi %sub3A_483, %jit3A_484 : i32
        %ne3A_502 = arith.constant 0 : i32
        %ne3A_503 = arith.cmpi ne, %rem3A_501, %ne3A_502 : i32
        %and3A_504 = arith.andi %ne3A_500, %ne3A_503 : i1
        %sub3A_505 = arith.constant 1 : i32
        %sub3A_506 = arith.subi %div3A_485, %sub3A_505 : i32
        %select_n3A_507 = arith.select %and3A_504, %sub3A_506, %div3A_485 : i32
        %mul3A_508 = arith.constant 8 : i32
        %mul3A_509 = arith.muli %select_n3A_507, %mul3A_508 : i32
        %add3A_510 = arith.addi %mul3A_2, %mul3A_509 : i32
        %jit3A_511 = arith.constant 2 : i32
        %eq3A_512 = arith.constant 0 : i32
        %eq3A_513 = arith.cmpi eq, %jit3A_511, %eq3A_512 : i32
        %jit3A_514 = arith.constant 1 : i32
        %select_n3A_515 = arith.select %eq3A_513, %jit3A_514, %jit3A_511 : i32
        %rem3A_516 = arith.remsi %sub3A_483, %select_n3A_515 : i32
        %ne3A_517 = arith.constant 0 : i32
        %ne3A_518 = arith.cmpi ne, %rem3A_516, %ne3A_517 : i32
        %lt3A_519 = arith.constant 0 : i32
        %lt3A_520 = arith.cmpi slt, %rem3A_516, %lt3A_519 : i32
        %lt3A_521 = arith.constant 0 : i32
        %lt3A_522 = arith.cmpi slt, %select_n3A_515, %lt3A_521 : i32
        %ne3A_523 = arith.xori %lt3A_520, %lt3A_522 : i1
        %and3A_524 = arith.andi %ne3A_523, %ne3A_518 : i1
        %add3A_525 = arith.addi %rem3A_516, %select_n3A_515 : i32
        %select_n3A_526 = arith.select %and3A_524, %add3A_525, %rem3A_516 : i32
        %mul3A_527 = arith.constant 2048 : i32
        %mul3A_528 = arith.muli %select_n3A_526, %mul3A_527 : i32
        %multiple_of3A_529 = tpu.assume_multiple %mul3A_528, 2048 : i32
        %shift_right_arithmetic3A_530 = arith.constant 2 : i32
        %shift_right_arithmetic3A_531 = arith.shrsi %add3A_510, %shift_right_arithmetic3A_530 : i32
        %multiple_of3A_532 = tpu.assume_multiple %shift_right_arithmetic3A_531, 2 : i32
        %dma_wait3A_533 = arith.constant 0 : i32
        %dma_wait3A_534 = arith.constant 0 : i32
        %dma_wait3A_535 = arith.constant 0 : i32
        %dma_wait3A_536 = arith.constant 0 : i32
        %dma_wait3A_537 = tpu.memref_slice %arg10[%dma_wait3A_533, %dma_wait3A_535, %dma_wait3A_536] : memref<2x8x2048xf32, #tpu.memory_space<vmem>> -> memref<1x8x2048xf32, #tpu.memory_space<vmem>>
        %dma_wait3A_538 = tpu.memref_squeeze %dma_wait3A_537 : memref<1x8x2048xf32, #tpu.memory_space<vmem>> -> memref<8x2048xf32, #tpu.memory_space<vmem>>
        %dma_wait3A_539 = tpu.memref_slice %arg5[%add3A_510, %multiple_of3A_529] : memref<16384x4096xf32, #tpu.memory_space<hbm>> -> memref<8x2048xf32, #tpu.memory_space<hbm>>
        %dma_wait3A_540 = tpu.memref_slice %arg13[%dma_wait3A_534] : memref<2x!tpu.dma_semaphore, #tpu.memory_space<semaphore_mem>> -> memref<1x!tpu.dma_semaphore, #tpu.memory_space<semaphore_mem>>
        %dma_wait3A_541 = tpu.memref_squeeze %dma_wait3A_540 : memref<1x!tpu.dma_semaphore, #tpu.memory_space<semaphore_mem>> -> memref<!tpu.dma_semaphore, #tpu.memory_space<semaphore_mem>>
        %dma_wait3A_542 = tpu.memref_slice %arg5[%add3A_510, %multiple_of3A_529] : memref<16384x4096xf32, #tpu.memory_space<hbm>> -> memref<8x2048xf32, #tpu.memory_space<hbm>>
        %dma_wait3A_543 = arith.constant 0 : i32
        %dma_wait3A_544 = arith.constant 0 : i32
        %dma_wait3A_545 = tpu.memref_slice %arg10[%dma_wait3A_533, %dma_wait3A_543, %dma_wait3A_544] : memref<2x8x2048xf32, #tpu.memory_space<vmem>> -> memref<1x8x2048xf32, #tpu.memory_space<vmem>>
        %dma_wait3A_546 = tpu.memref_squeeze %dma_wait3A_545 : memref<1x8x2048xf32, #tpu.memory_space<vmem>> -> memref<8x2048xf32, #tpu.memory_space<vmem>>
        tpu.wait_dma2 semaphore(%dma_wait3A_541 : memref<!tpu.dma_semaphore, #tpu.memory_space<semaphore_mem>>) src(%dma_wait3A_546 : memref<8x2048xf32, #tpu.memory_space<vmem>>) dst(%dma_wait3A_542 : memref<8x2048xf32, #tpu.memory_space<hbm>>)
      } else {
      }
      %scan3A_214 = arith.constant 0 : i32
      %scan3A_215 = arith.constant 128 : i32
      %scan3A_216 = arith.addi %scan3A_214, %scan3A_215 : i32
      %scan3A_217 = arith.constant 1 : i32
      scf.for %scan3A_482 = %scan3A_214 to %scan3A_216 step %scan3A_217  : i32 {
        %mul3A_483 = arith.constant 16 : i32
        %mul3A_484 = arith.muli %scan3A_482, %mul3A_483 : i32
        %get3A = arith.constant 0 : i32
        %get3A_485 = arith.constant 0 : i32
        %get3A_486 = arith.index_cast %get3A : i32 to index
        %get3A_487 = arith.index_cast %get3A_485 : i32 to index
        %get3A_488 = arith.index_cast %mul3A_484 : i32 to index
        %get3A_489 = tpu.vector_load %arg9[%get3A_486, %get3A_487, %get3A_488] {strides = array<i32>} : memref<2x2x2048xi32, #tpu.memory_space<vmem>>, vector<1x1x16xi32>,
        %get3A_490 = vector.shape_cast %get3A_489 : vector<1x1x16xi32> to vector<16xi32>
        %and3A_491 = arith.constant 1 : i32
        %and3A_492 = vector.broadcast %and3A_491 : i32 to vector<16xi32>
        %and3A_493 = arith.andi %get3A_490, %and3A_492 : vector<16xi32>
        %ne3A_494 = arith.constant 0 : i32
        %ne3A_495 = vector.broadcast %ne3A_494 : i32 to vector<16xi32>
        %ne3A_496 = arith.cmpi ne, %and3A_493, %ne3A_495 : vector<16xi32>
        %get3A_497 = arith.constant 0 : i32
        %get3A_498 = arith.constant 0 : i32
        %get3A_499 = arith.index_cast %get3A_497 : i32 to index
        %get3A_500 = arith.index_cast %get3A_498 : i32 to index
        %get3A_501 = arith.index_cast %mul3A_484 : i32 to index
        %get3A_502 = tpu.vector_load %arg7[%get3A_499, %get3A_500, %get3A_501] {strides = array<i32>} : memref<2x8x2048xf32, #tpu.memory_space<vmem>>, vector<1x1x16xf32>,
        %get3A_503 = vector.shape_cast %get3A_502 : vector<1x1x16xf32> to vector<16xf32>
        %get3A_504 = arith.constant 0 : i32
        %get3A_505 = arith.constant 0 : i32
        %get3A_506 = arith.index_cast %get3A_504 : i32 to index
        %get3A_507 = arith.index_cast %get3A_505 : i32 to index
        %get3A_508 = arith.index_cast %mul3A_484 : i32 to index
        %get3A_509 = tpu.vector_load %arg8[%get3A_506, %get3A_507, %get3A_508] {strides = array<i32>} : memref<2x8x2048xf32, #tpu.memory_space<vmem>>, vector<1x1x16xf32>,
        %get3A_510 = vector.shape_cast %get3A_509 : vector<1x1x16xf32> to vector<16xf32>
        %select_n3A_511 = arith.select %ne3A_496, %get3A_510, %get3A_503 : vector<16xi1>, vector<16xf32>
        %swap3A = arith.constant 0 : i32
        %swap3A_512 = arith.constant 0 : i32
        %swap3A_513 = arith.index_cast %swap3A : i32 to index
        %swap3A_514 = arith.index_cast %swap3A_512 : i32 to index
        %swap3A_515 = arith.index_cast %mul3A_484 : i32 to index
        %swap3A_516 = tpu.vector_load %arg10[%swap3A_513, %swap3A_514, %swap3A_515] {strides = array<i32>} : memref<2x8x2048xf32, #tpu.memory_space<vmem>>, vector<1x1x16xf32>,
        %swap3A_517 = vector.shape_cast %swap3A_516 : vector<1x1x16xf32> to vector<16xf32>
        %swap3A_518 = vector.shape_cast %select_n3A_511 : vector<16xf32> to vector<1x1x16xf32>
        tpu.vector_store %arg10[%swap3A_513, %swap3A_514, %swap3A_515], %swap3A_518 {strides = array<i32>} : memref<2x8x2048xf32, #tpu.memory_space<vmem>>, vector<1x1x16xf32>,
        %and3A_519 = arith.constant 256 : i32
        %and3A_520 = vector.broadcast %and3A_519 : i32 to vector<16xi32>
        %and3A_521 = arith.andi %get3A_490, %and3A_520 : vector<16xi32>
        %ne3A_522 = arith.constant 0 : i32
        %ne3A_523 = vector.broadcast %ne3A_522 : i32 to vector<16xi32>
        %ne3A_524 = arith.cmpi ne, %and3A_521, %ne3A_523 : vector<16xi32>
        %get3A_525 = arith.constant 0 : i32
        %get3A_526 = arith.constant 1 : i32
        %get3A_527 = arith.index_cast %get3A_525 : i32 to index
        %get3A_528 = arith.index_cast %get3A_526 : i32 to index
        %get3A_529 = arith.index_cast %mul3A_484 : i32 to index
        %get3A_530 = tpu.vector_load %arg7[%get3A_527, %get3A_528, %get3A_529] {strides = array<i32>} : memref<2x8x2048xf32, #tpu.memory_space<vmem>>, vector<1x1x16xf32>,
        %get3A_531 = vector.shape_cast %get3A_530 : vector<1x1x16xf32> to vector<16xf32>
        %get3A_532 = arith.constant 0 : i32
        %get3A_533 = arith.constant 1 : i32
        %get3A_534 = arith.index_cast %get3A_532 : i32 to index
        %get3A_535 = arith.index_cast %get3A_533 : i32 to index
        %get3A_536 = arith.index_cast %mul3A_484 : i32 to index
        %get3A_537 = tpu.vector_load %arg8[%get3A_534, %get3A_535, %get3A_536] {strides = array<i32>} : memref<2x8x2048xf32, #tpu.memory_space<vmem>>, vector<1x1x16xf32>,
        %get3A_538 = vector.shape_cast %get3A_537 : vector<1x1x16xf32> to vector<16xf32>
        %select_n3A_539 = arith.select %ne3A_524, %get3A_538, %get3A_531 : vector<16xi1>, vector<16xf32>
        %swap3A_540 = arith.constant 0 : i32
        %swap3A_541 = arith.constant 1 : i32
        %swap3A_542 = arith.index_cast %swap3A_540 : i32 to index
        %swap3A_543 = arith.index_cast %swap3A_541 : i32 to index
        %swap3A_544 = arith.index_cast %mul3A_484 : i32 to index
        %swap3A_545 = tpu.vector_load %arg10[%swap3A_542, %swap3A_543, %swap3A_544] {strides = array<i32>} : memref<2x8x2048xf32, #tpu.memory_space<vmem>>, vector<1x1x16xf32>,
        %swap3A_546 = vector.shape_cast %swap3A_545 : vector<1x1x16xf32> to vector<16xf32>
        %swap3A_547 = vector.shape_cast %select_n3A_539 : vector<16xf32> to vector<1x1x16xf32>
        tpu.vector_store %arg10[%swap3A_542, %swap3A_543, %swap3A_544], %swap3A_547 {strides = array<i32>} : memref<2x8x2048xf32, #tpu.memory_space<vmem>>, vector<1x1x16xf32>,
        %and3A_548 = arith.constant 65536 : i32
        %and3A_549 = vector.broadcast %and3A_548 : i32 to vector<16xi32>
        %and3A_550 = arith.andi %get3A_490, %and3A_549 : vector<16xi32>
        %ne3A_551 = arith.constant 0 : i32
        %ne3A_552 = vector.broadcast %ne3A_551 : i32 to vector<16xi32>
        %ne3A_553 = arith.cmpi ne, %and3A_550, %ne3A_552 : vector<16xi32>
        %get3A_554 = arith.constant 0 : i32
        %get3A_555 = arith.constant 2 : i32
        %get3A_556 = arith.index_cast %get3A_554 : i32 to index
        %get3A_557 = arith.index_cast %get3A_555 : i32 to index
        %get3A_558 = arith.index_cast %mul3A_484 : i32 to index
        %get3A_559 = tpu.vector_load %arg7[%get3A_556, %get3A_557, %get3A_558] {strides = array<i32>} : memref<2x8x2048xf32, #tpu.memory_space<vmem>>, vector<1x1x16xf32>,
        %get3A_560 = vector.shape_cast %get3A_559 : vector<1x1x16xf32> to vector<16xf32>
        %get3A_561 = arith.constant 0 : i32
        %get3A_562 = arith.constant 2 : i32
        %get3A_563 = arith.index_cast %get3A_561 : i32 to index
        %get3A_564 = arith.index_cast %get3A_562 : i32 to index
        %get3A_565 = arith.index_cast %mul3A_484 : i32 to index
        %get3A_566 = tpu.vector_load %arg8[%get3A_563, %get3A_564, %get3A_565] {strides = array<i32>} : memref<2x8x2048xf32, #tpu.memory_space<vmem>>, vector<1x1x16xf32>,
        %get3A_567 = vector.shape_cast %get3A_566 : vector<1x1x16xf32> to vector<16xf32>
        %select_n3A_568 = arith.select %ne3A_553, %get3A_567, %get3A_560 : vector<16xi1>, vector<16xf32>
        %swap3A_569 = arith.constant 0 : i32
        %swap3A_570 = arith.constant 2 : i32
        %swap3A_571 = arith.index_cast %swap3A_569 : i32 to index
        %swap3A_572 = arith.index_cast %swap3A_570 : i32 to index
        %swap3A_573 = arith.index_cast %mul3A_484 : i32 to index
        %swap3A_574 = tpu.vector_load %arg10[%swap3A_571, %swap3A_572, %swap3A_573] {strides = array<i32>} : memref<2x8x2048xf32, #tpu.memory_space<vmem>>, vector<1x1x16xf32>,
        %swap3A_575 = vector.shape_cast %swap3A_574 : vector<1x1x16xf32> to vector<16xf32>
        %swap3A_576 = vector.shape_cast %select_n3A_568 : vector<16xf32> to vector<1x1x16xf32>
        tpu.vector_store %arg10[%swap3A_571, %swap3A_572, %swap3A_573], %swap3A_576 {strides = array<i32>} : memref<2x8x2048xf32, #tpu.memory_space<vmem>>, vector<1x1x16xf32>,
        %and3A_577 = arith.constant 16777216 : i32
        %and3A_578 = vector.broadcast %and3A_577 : i32 to vector<16xi32>
        %and3A_579 = arith.andi %get3A_490, %and3A_578 : vector<16xi32>
        %ne3A_580 = arith.constant 0 : i32
        %ne3A_581 = vector.broadcast %ne3A_580 : i32 to vector<16xi32>
        %ne3A_582 = arith.cmpi ne, %and3A_579, %ne3A_581 : vector<16xi32>
        %get3A_583 = arith.constant 0 : i32
        %get3A_584 = arith.constant 3 : i32
        %get3A_585 = arith.index_cast %get3A_583 : i32 to index
        %get3A_586 = arith.index_cast %get3A_584 : i32 to index
        %get3A_587 = arith.index_cast %mul3A_484 : i32 to index
        %get3A_588 = tpu.vector_load %arg7[%get3A_585, %get3A_586, %get3A_587] {strides = array<i32>} : memref<2x8x2048xf32, #tpu.memory_space<vmem>>, vector<1x1x16xf32>,
        %get3A_589 = vector.shape_cast %get3A_588 : vector<1x1x16xf32> to vector<16xf32>
        %get3A_590 = arith.constant 0 : i32
        %get3A_591 = arith.constant 3 : i32
        %get3A_592 = arith.index_cast %get3A_590 : i32 to index
        %get3A_593 = arith.index_cast %get3A_591 : i32 to index
        %get3A_594 = arith.index_cast %mul3A_484 : i32 to index
        %get3A_595 = tpu.vector_load %arg8[%get3A_592, %get3A_593, %get3A_594] {strides = array<i32>} : memref<2x8x2048xf32, #tpu.memory_space<vmem>>, vector<1x1x16xf32>,
        %get3A_596 = vector.shape_cast %get3A_595 : vector<1x1x16xf32> to vector<16xf32>
        %select_n3A_597 = arith.select %ne3A_582, %get3A_596, %get3A_589 : vector<16xi1>, vector<16xf32>
        %swap3A_598 = arith.constant 0 : i32
        %swap3A_599 = arith.constant 3 : i32
        %swap3A_600 = arith.index_cast %swap3A_598 : i32 to index
        %swap3A_601 = arith.index_cast %swap3A_599 : i32 to index
        %swap3A_602 = arith.index_cast %mul3A_484 : i32 to index
        %swap3A_603 = tpu.vector_load %arg10[%swap3A_600, %swap3A_601, %swap3A_602] {strides = array<i32>} : memref<2x8x2048xf32, #tpu.memory_space<vmem>>, vector<1x1x16xf32>,
        %swap3A_604 = vector.shape_cast %swap3A_603 : vector<1x1x16xf32> to vector<16xf32>
        %swap3A_605 = vector.shape_cast %select_n3A_597 : vector<16xf32> to vector<1x1x16xf32>
        tpu.vector_store %arg10[%swap3A_600, %swap3A_601, %swap3A_602], %swap3A_605 {strides = array<i32>} : memref<2x8x2048xf32, #tpu.memory_space<vmem>>, vector<1x1x16xf32>,
        %get3A_606 = arith.constant 0 : i32
        %get3A_607 = arith.constant 1 : i32
        %get3A_608 = arith.index_cast %get3A_606 : i32 to index
        %get3A_609 = arith.index_cast %get3A_607 : i32 to index
        %get3A_610 = arith.index_cast %mul3A_484 : i32 to index
        %get3A_611 = tpu.vector_load %arg9[%get3A_608, %get3A_609, %get3A_610] {strides = array<i32>} : memref<2x2x2048xi32, #tpu.memory_space<vmem>>, vector<1x1x16xi32>,
        %get3A_612 = vector.shape_cast %get3A_611 : vector<1x1x16xi32> to vector<16xi32>
        %and3A_613 = arith.constant 1 : i32
        %and3A_614 = vector.broadcast %and3A_613 : i32 to vector<16xi32>
        %and3A_615 = arith.andi %get3A_612, %and3A_614 : vector<16xi32>
        %ne3A_616 = arith.constant 0 : i32
        %ne3A_617 = vector.broadcast %ne3A_616 : i32 to vector<16xi32>
        %ne3A_618 = arith.cmpi ne, %and3A_615, %ne3A_617 : vector<16xi32>
        %get3A_619 = arith.constant 0 : i32
        %get3A_620 = arith.constant 4 : i32
        %get3A_621 = arith.index_cast %get3A_619 : i32 to index
        %get3A_622 = arith.index_cast %get3A_620 : i32 to index
        %get3A_623 = arith.index_cast %mul3A_484 : i32 to index
        %get3A_624 = tpu.vector_load %arg7[%get3A_621, %get3A_622, %get3A_623] {strides = array<i32>} : memref<2x8x2048xf32, #tpu.memory_space<vmem>>, vector<1x1x16xf32>,
        %get3A_625 = vector.shape_cast %get3A_624 : vector<1x1x16xf32> to vector<16xf32>
        %get3A_626 = arith.constant 0 : i32
        %get3A_627 = arith.constant 4 : i32
        %get3A_628 = arith.index_cast %get3A_626 : i32 to index
        %get3A_629 = arith.index_cast %get3A_627 : i32 to index
        %get3A_630 = arith.index_cast %mul3A_484 : i32 to index
        %get3A_631 = tpu.vector_load %arg8[%get3A_628, %get3A_629, %get3A_630] {strides = array<i32>} : memref<2x8x2048xf32, #tpu.memory_space<vmem>>, vector<1x1x16xf32>,
        %get3A_632 = vector.shape_cast %get3A_631 : vector<1x1x16xf32> to vector<16xf32>
        %select_n3A_633 = arith.select %ne3A_618, %get3A_632, %get3A_625 : vector<16xi1>, vector<16xf32>
        %swap3A_634 = arith.constant 0 : i32
        %swap3A_635 = arith.constant 4 : i32
        %swap3A_636 = arith.index_cast %swap3A_634 : i32 to index
        %swap3A_637 = arith.index_cast %swap3A_635 : i32 to index
        %swap3A_638 = arith.index_cast %mul3A_484 : i32 to index
        %swap3A_639 = tpu.vector_load %arg10[%swap3A_636, %swap3A_637, %swap3A_638] {strides = array<i32>} : memref<2x8x2048xf32, #tpu.memory_space<vmem>>, vector<1x1x16xf32>,
        %swap3A_640 = vector.shape_cast %swap3A_639 : vector<1x1x16xf32> to vector<16xf32>
        %swap3A_641 = vector.shape_cast %select_n3A_633 : vector<16xf32> to vector<1x1x16xf32>
        tpu.vector_store %arg10[%swap3A_636, %swap3A_637, %swap3A_638], %swap3A_641 {strides = array<i32>} : memref<2x8x2048xf32, #tpu.memory_space<vmem>>, vector<1x1x16xf32>,
        %and3A_642 = arith.constant 256 : i32
        %and3A_643 = vector.broadcast %and3A_642 : i32 to vector<16xi32>
        %and3A_644 = arith.andi %get3A_612, %and3A_643 : vector<16xi32>
        %ne3A_645 = arith.constant 0 : i32
        %ne3A_646 = vector.broadcast %ne3A_645 : i32 to vector<16xi32>
        %ne3A_647 = arith.cmpi ne, %and3A_644, %ne3A_646 : vector<16xi32>
        %get3A_648 = arith.constant 0 : i32
        %get3A_649 = arith.constant 5 : i32
        %get3A_650 = arith.index_cast %get3A_648 : i32 to index
        %get3A_651 = arith.index_cast %get3A_649 : i32 to index
        %get3A_652 = arith.index_cast %mul3A_484 : i32 to index
        %get3A_653 = tpu.vector_load %arg7[%get3A_650, %get3A_651, %get3A_652] {strides = array<i32>} : memref<2x8x2048xf32, #tpu.memory_space<vmem>>, vector<1x1x16xf32>,
        %get3A_654 = vector.shape_cast %get3A_653 : vector<1x1x16xf32> to vector<16xf32>
        %get3A_655 = arith.constant 0 : i32
        %get3A_656 = arith.constant 5 : i32
        %get3A_657 = arith.index_cast %get3A_655 : i32 to index
        %get3A_658 = arith.index_cast %get3A_656 : i32 to index
        %get3A_659 = arith.index_cast %mul3A_484 : i32 to index
        %get3A_660 = tpu.vector_load %arg8[%get3A_657, %get3A_658, %get3A_659] {strides = array<i32>} : memref<2x8x2048xf32, #tpu.memory_space<vmem>>, vector<1x1x16xf32>,
        %get3A_661 = vector.shape_cast %get3A_660 : vector<1x1x16xf32> to vector<16xf32>
        %select_n3A_662 = arith.select %ne3A_647, %get3A_661, %get3A_654 : vector<16xi1>, vector<16xf32>
        %swap3A_663 = arith.constant 0 : i32
        %swap3A_664 = arith.constant 5 : i32
        %swap3A_665 = arith.index_cast %swap3A_663 : i32 to index
        %swap3A_666 = arith.index_cast %swap3A_664 : i32 to index
        %swap3A_667 = arith.index_cast %mul3A_484 : i32 to index
        %swap3A_668 = tpu.vector_load %arg10[%swap3A_665, %swap3A_666, %swap3A_667] {strides = array<i32>} : memref<2x8x2048xf32, #tpu.memory_space<vmem>>, vector<1x1x16xf32>,
        %swap3A_669 = vector.shape_cast %swap3A_668 : vector<1x1x16xf32> to vector<16xf32>
        %swap3A_670 = vector.shape_cast %select_n3A_662 : vector<16xf32> to vector<1x1x16xf32>
        tpu.vector_store %arg10[%swap3A_665, %swap3A_666, %swap3A_667], %swap3A_670 {strides = array<i32>} : memref<2x8x2048xf32, #tpu.memory_space<vmem>>, vector<1x1x16xf32>,
        %and3A_671 = arith.constant 65536 : i32
        %and3A_672 = vector.broadcast %and3A_671 : i32 to vector<16xi32>
        %and3A_673 = arith.andi %get3A_612, %and3A_672 : vector<16xi32>
        %ne3A_674 = arith.constant 0 : i32
        %ne3A_675 = vector.broadcast %ne3A_674 : i32 to vector<16xi32>
        %ne3A_676 = arith.cmpi ne, %and3A_673, %ne3A_675 : vector<16xi32>
        %get3A_677 = arith.constant 0 : i32
        %get3A_678 = arith.constant 6 : i32
        %get3A_679 = arith.index_cast %get3A_677 : i32 to index
        %get3A_680 = arith.index_cast %get3A_678 : i32 to index
        %get3A_681 = arith.index_cast %mul3A_484 : i32 to index
        %get3A_682 = tpu.vector_load %arg7[%get3A_679, %get3A_680, %get3A_681] {strides = array<i32>} : memref<2x8x2048xf32, #tpu.memory_space<vmem>>, vector<1x1x16xf32>,
        %get3A_683 = vector.shape_cast %get3A_682 : vector<1x1x16xf32> to vector<16xf32>
        %get3A_684 = arith.constant 0 : i32
        %get3A_685 = arith.constant 6 : i32
        %get3A_686 = arith.index_cast %get3A_684 : i32 to index
        %get3A_687 = arith.index_cast %get3A_685 : i32 to index
        %get3A_688 = arith.index_cast %mul3A_484 : i32 to index
        %get3A_689 = tpu.vector_load %arg8[%get3A_686, %get3A_687, %get3A_688] {strides = array<i32>} : memref<2x8x2048xf32, #tpu.memory_space<vmem>>, vector<1x1x16xf32>,
        %get3A_690 = vector.shape_cast %get3A_689 : vector<1x1x16xf32> to vector<16xf32>
        %select_n3A_691 = arith.select %ne3A_676, %get3A_690, %get3A_683 : vector<16xi1>, vector<16xf32>
        %swap3A_692 = arith.constant 0 : i32
        %swap3A_693 = arith.constant 6 : i32
        %swap3A_694 = arith.index_cast %swap3A_692 : i32 to index
        %swap3A_695 = arith.index_cast %swap3A_693 : i32 to index
        %swap3A_696 = arith.index_cast %mul3A_484 : i32 to index
        %swap3A_697 = tpu.vector_load %arg10[%swap3A_694, %swap3A_695, %swap3A_696] {strides = array<i32>} : memref<2x8x2048xf32, #tpu.memory_space<vmem>>, vector<1x1x16xf32>,
        %swap3A_698 = vector.shape_cast %swap3A_697 : vector<1x1x16xf32> to vector<16xf32>
        %swap3A_699 = vector.shape_cast %select_n3A_691 : vector<16xf32> to vector<1x1x16xf32>
        tpu.vector_store %arg10[%swap3A_694, %swap3A_695, %swap3A_696], %swap3A_699 {strides = array<i32>} : memref<2x8x2048xf32, #tpu.memory_space<vmem>>, vector<1x1x16xf32>,
        %and3A_700 = arith.constant 16777216 : i32
        %and3A_701 = vector.broadcast %and3A_700 : i32 to vector<16xi32>
        %and3A_702 = arith.andi %get3A_612, %and3A_701 : vector<16xi32>
        %ne3A_703 = arith.constant 0 : i32
        %ne3A_704 = vector.broadcast %ne3A_703 : i32 to vector<16xi32>
        %ne3A_705 = arith.cmpi ne, %and3A_702, %ne3A_704 : vector<16xi32>
        %get3A_706 = arith.constant 0 : i32
        %get3A_707 = arith.constant 7 : i32
        %get3A_708 = arith.index_cast %get3A_706 : i32 to index
        %get3A_709 = arith.index_cast %get3A_707 : i32 to index
        %get3A_710 = arith.index_cast %mul3A_484 : i32 to index
        %get3A_711 = tpu.vector_load %arg7[%get3A_708, %get3A_709, %get3A_710] {strides = array<i32>} : memref<2x8x2048xf32, #tpu.memory_space<vmem>>, vector<1x1x16xf32>,
        %get3A_712 = vector.shape_cast %get3A_711 : vector<1x1x16xf32> to vector<16xf32>
        %get3A_713 = arith.constant 0 : i32
        %get3A_714 = arith.constant 7 : i32
        %get3A_715 = arith.index_cast %get3A_713 : i32 to index
        %get3A_716 = arith.index_cast %get3A_714 : i32 to index
        %get3A_717 = arith.index_cast %mul3A_484 : i32 to index
        %get3A_718 = tpu.vector_load %arg8[%get3A_715, %get3A_716, %get3A_717] {strides = array<i32>} : memref<2x8x2048xf32, #tpu.memory_space<vmem>>, vector<1x1x16xf32>,
        %get3A_719 = vector.shape_cast %get3A_718 : vector<1x1x16xf32> to vector<16xf32>
        %select_n3A_720 = arith.select %ne3A_705, %get3A_719, %get3A_712 : vector<16xi1>, vector<16xf32>
        %swap3A_721 = arith.constant 0 : i32
        %swap3A_722 = arith.constant 7 : i32
        %swap3A_723 = arith.index_cast %swap3A_721 : i32 to index
        %swap3A_724 = arith.index_cast %swap3A_722 : i32 to index
        %swap3A_725 = arith.index_cast %mul3A_484 : i32 to index
        %swap3A_726 = tpu.vector_load %arg10[%swap3A_723, %swap3A_724, %swap3A_725] {strides = array<i32>} : memref<2x8x2048xf32, #tpu.memory_space<vmem>>, vector<1x1x16xf32>,
        %swap3A_727 = vector.shape_cast %swap3A_726 : vector<1x1x16xf32> to vector<16xf32>
        %swap3A_728 = vector.shape_cast %select_n3A_720 : vector<16xf32> to vector<1x1x16xf32>
        tpu.vector_store %arg10[%swap3A_723, %swap3A_724, %swap3A_725], %swap3A_728 {strides = array<i32>} : memref<2x8x2048xf32, #tpu.memory_space<vmem>>, vector<1x1x16xf32>,
      }
      %scan3A_218 = arith.constant 128 : i32
      %jit3A_219 = arith.constant 2 : i32
      %div3A_220 = arith.divsi %add3A_98, %jit3A_219 : i32
      %sign3A_221 = arith.constant 0 : i32
      %sign3A_222 = arith.cmpi sgt, %add3A_98, %sign3A_221 : i32
      %sign3A_223 = arith.extui %sign3A_222 : i1 to i32
      %sign3A_224 = arith.constant 0 : i32
      %sign3A_225 = arith.cmpi slt, %add3A_98, %sign3A_224 : i32
      %sign3A_226 = arith.extui %sign3A_225 : i1 to i32
      %sign3A_227 = arith.subi %sign3A_223, %sign3A_226 : i32
      %sign3A_228 = arith.constant 0 : i32
      %sign3A_229 = arith.cmpi sgt, %jit3A_219, %sign3A_228 : i32
      %sign3A_230 = arith.extui %sign3A_229 : i1 to i32
      %sign3A_231 = arith.constant 0 : i32
      %sign3A_232 = arith.cmpi slt, %jit3A_219, %sign3A_231 : i32
      %sign3A_233 = arith.extui %sign3A_232 : i1 to i32
      %sign3A_234 = arith.subi %sign3A_230, %sign3A_233 : i32
      %ne3A_235 = arith.cmpi ne, %sign3A_227, %sign3A_234 : i32
      %rem3A_236 = arith.remsi %add3A_98, %jit3A_219 : i32
      %ne3A_237 = arith.constant 0 : i32
      %ne3A_238 = arith.cmpi ne, %rem3A_236, %ne3A_237 : i32
      %and3A_239 = arith.andi %ne3A_235, %ne3A_238 : i1
      %sub3A_240 = arith.constant 1 : i32
      %sub3A_241 = arith.subi %div3A_220, %sub3A_240 : i32
      %select_n3A_242 = arith.select %and3A_239, %sub3A_241, %div3A_220 : i32
      %mul3A_243 = arith.constant 8 : i32
      %mul3A_244 = arith.muli %select_n3A_242, %mul3A_243 : i32
      %add3A_245 = arith.addi %mul3A_2, %mul3A_244 : i32
      %jit3A_246 = arith.constant 2 : i32
      %eq3A_247 = arith.constant 0 : i32
      %eq3A_248 = arith.cmpi eq, %jit3A_246, %eq3A_247 : i32
      %jit3A_249 = arith.constant 1 : i32
      %select_n3A_250 = arith.select %eq3A_248, %jit3A_249, %jit3A_246 : i32
      %rem3A_251 = arith.remsi %add3A_98, %select_n3A_250 : i32
      %ne3A_252 = arith.constant 0 : i32
      %ne3A_253 = arith.cmpi ne, %rem3A_251, %ne3A_252 : i32
      %lt3A_254 = arith.constant 0 : i32
      %lt3A_255 = arith.cmpi slt, %rem3A_251, %lt3A_254 : i32
      %lt3A_256 = arith.constant 0 : i32
      %lt3A_257 = arith.cmpi slt, %select_n3A_250, %lt3A_256 : i32
      %ne3A_258 = arith.xori %lt3A_255, %lt3A_257 : i1
      %and3A_259 = arith.andi %ne3A_258, %ne3A_253 : i1
      %add3A_260 = arith.addi %rem3A_251, %select_n3A_250 : i32
      %select_n3A_261 = arith.select %and3A_259, %add3A_260, %rem3A_251 : i32
      %mul3A_262 = arith.constant 2048 : i32
      %mul3A_263 = arith.muli %select_n3A_261, %mul3A_262 : i32
      %multiple_of3A_264 = tpu.assume_multiple %mul3A_263, 2048 : i32
      %shift_right_arithmetic3A_265 = arith.constant 2 : i32
      %shift_right_arithmetic3A_266 = arith.shrsi %add3A_245, %shift_right_arithmetic3A_265 : i32
      %multiple_of3A_267 = tpu.assume_multiple %shift_right_arithmetic3A_266, 2 : i32
      %dma_start3A_268 = arith.constant 0 : i32
      %dma_start3A_269 = arith.constant 0 : i32
      %dma_start3A_270 = arith.constant 0 : i32
      %dma_start3A_271 = arith.constant 0 : i32
      %dma_start3A_272 = tpu.memref_slice %arg10[%dma_start3A_268, %dma_start3A_270, %dma_start3A_271] : memref<2x8x2048xf32, #tpu.memory_space<vmem>> -> memref<1x8x2048xf32, #tpu.memory_space<vmem>>
      %dma_start3A_273 = tpu.memref_squeeze %dma_start3A_272 : memref<1x8x2048xf32, #tpu.memory_space<vmem>> -> memref<8x2048xf32, #tpu.memory_space<vmem>>
      %dma_start3A_274 = tpu.memref_slice %arg5[%add3A_245, %multiple_of3A_264] : memref<16384x4096xf32, #tpu.memory_space<hbm>> -> memref<8x2048xf32, #tpu.memory_space<hbm>>
      %dma_start3A_275 = tpu.memref_slice %arg13[%dma_start3A_269] : memref<2x!tpu.dma_semaphore, #tpu.memory_space<semaphore_mem>> -> memref<1x!tpu.dma_semaphore, #tpu.memory_space<semaphore_mem>>
      %dma_start3A_276 = tpu.memref_squeeze %dma_start3A_275 : memref<1x!tpu.dma_semaphore, #tpu.memory_space<semaphore_mem>> -> memref<!tpu.dma_semaphore, #tpu.memory_space<semaphore_mem>>
      %dma_start3A_277 = tpu.memref_slice %arg5[%add3A_245, %multiple_of3A_264] : memref<16384x4096xf32, #tpu.memory_space<hbm>> -> memref<8x2048xf32, #tpu.memory_space<hbm>>
      %dma_start3A_278 = arith.constant 0 : i32
      %dma_start3A_279 = arith.constant 0 : i32
      %dma_start3A_280 = tpu.memref_slice %arg10[%dma_start3A_268, %dma_start3A_278, %dma_start3A_279] : memref<2x8x2048xf32, #tpu.memory_space<vmem>> -> memref<1x8x2048xf32, #tpu.memory_space<vmem>>
      %dma_start3A_281 = tpu.memref_squeeze %dma_start3A_280 : memref<1x8x2048xf32, #tpu.memory_space<vmem>> -> memref<8x2048xf32, #tpu.memory_space<vmem>>
      tpu.enqueue_dma source(%dma_start3A_281 : memref<8x2048xf32, #tpu.memory_space<vmem>>) target(%dma_start3A_277 : memref<8x2048xf32, #tpu.memory_space<hbm>>) target_semaphore(%dma_start3A_276 : memref<!tpu.dma_semaphore, #tpu.memory_space<semaphore_mem>>)
      %mul3A_282 = arith.constant 2 : i32
      %mul3A_283 = arith.muli %mul3A_282, %scan3A_94 : i32
      %add3A_284 = arith.constant 1 : i32
      %add3A_285 = arith.addi %mul3A_283, %add3A_284 : i32
      %add3A_286 = arith.constant 1 : i32
      %add3A_287 = arith.addi %add3A_285, %add3A_286 : i32
      %lt3A_288 = arith.constant 128 : i32
      %lt3A_289 = arith.cmpi slt, %add3A_287, %lt3A_288 : i32
      %convert_element_type3A_290 = arith.extui %lt3A_289 : i1 to i32
      %cond3A_291 = arith.constant 0 : i32
      %cond3A_292 = arith.cmpi ne, %convert_element_type3A_290, %cond3A_291 : i32
      scf.if %cond3A_292 {
        %add3A_482 = arith.constant 1 : i32
        %add3A_483 = arith.addi %add3A_285, %add3A_482 : i32
        %jit3A_484 = arith.constant 2 : i32
        %div3A_485 = arith.divsi %add3A_483, %jit3A_484 : i32
        %sign3A_486 = arith.constant 0 : i32
        %sign3A_487 = arith.cmpi sgt, %add3A_483, %sign3A_486 : i32
        %sign3A_488 = arith.extui %sign3A_487 : i1 to i32
        %sign3A_489 = arith.constant 0 : i32
        %sign3A_490 = arith.cmpi slt, %add3A_483, %sign3A_489 : i32
        %sign3A_491 = arith.extui %sign3A_490 : i1 to i32
        %sign3A_492 = arith.subi %sign3A_488, %sign3A_491 : i32
        %sign3A_493 = arith.constant 0 : i32
        %sign3A_494 = arith.cmpi sgt, %jit3A_484, %sign3A_493 : i32
        %sign3A_495 = arith.extui %sign3A_494 : i1 to i32
        %sign3A_496 = arith.constant 0 : i32
        %sign3A_497 = arith.cmpi slt, %jit3A_484, %sign3A_496 : i32
        %sign3A_498 = arith.extui %sign3A_497 : i1 to i32
        %sign3A_499 = arith.subi %sign3A_495, %sign3A_498 : i32
        %ne3A_500 = arith.cmpi ne, %sign3A_492, %sign3A_499 : i32
        %rem3A_501 = arith.remsi %add3A_483, %jit3A_484 : i32
        %ne3A_502 = arith.constant 0 : i32
        %ne3A_503 = arith.cmpi ne, %rem3A_501, %ne3A_502 : i32
        %and3A_504 = arith.andi %ne3A_500, %ne3A_503 : i1
        %sub3A_505 = arith.constant 1 : i32
        %sub3A_506 = arith.subi %div3A_485, %sub3A_505 : i32
        %select_n3A_507 = arith.select %and3A_504, %sub3A_506, %div3A_485 : i32
        %mul3A_508 = arith.constant 8 : i32
        %mul3A_509 = arith.muli %select_n3A_507, %mul3A_508 : i32
        %add3A_510 = arith.addi %mul3A_2, %mul3A_509 : i32
        %jit3A_511 = arith.constant 2 : i32
        %eq3A_512 = arith.constant 0 : i32
        %eq3A_513 = arith.cmpi eq, %jit3A_511, %eq3A_512 : i32
        %jit3A_514 = arith.constant 1 : i32
        %select_n3A_515 = arith.select %eq3A_513, %jit3A_514, %jit3A_511 : i32
        %rem3A_516 = arith.remsi %add3A_483, %select_n3A_515 : i32
        %ne3A_517 = arith.constant 0 : i32
        %ne3A_518 = arith.cmpi ne, %rem3A_516, %ne3A_517 : i32
        %lt3A_519 = arith.constant 0 : i32
        %lt3A_520 = arith.cmpi slt, %rem3A_516, %lt3A_519 : i32
        %lt3A_521 = arith.constant 0 : i32
        %lt3A_522 = arith.cmpi slt, %select_n3A_515, %lt3A_521 : i32
        %ne3A_523 = arith.xori %lt3A_520, %lt3A_522 : i1
        %and3A_524 = arith.andi %ne3A_523, %ne3A_518 : i1
        %add3A_525 = arith.addi %rem3A_516, %select_n3A_515 : i32
        %select_n3A_526 = arith.select %and3A_524, %add3A_525, %rem3A_516 : i32
        %mul3A_527 = arith.constant 2048 : i32
        %mul3A_528 = arith.muli %select_n3A_526, %mul3A_527 : i32
        %multiple_of3A_529 = tpu.assume_multiple %mul3A_528, 2048 : i32
        %shift_right_arithmetic3A_530 = arith.constant 2 : i32
        %shift_right_arithmetic3A_531 = arith.shrsi %add3A_510, %shift_right_arithmetic3A_530 : i32
        %multiple_of3A_532 = tpu.assume_multiple %shift_right_arithmetic3A_531, 2 : i32
        %jit3A_533 = arith.constant 2 : i32
        %div3A_534 = arith.divsi %add3A_483, %jit3A_533 : i32
        %sign3A_535 = arith.constant 0 : i32
        %sign3A_536 = arith.cmpi sgt, %add3A_483, %sign3A_535 : i32
        %sign3A_537 = arith.extui %sign3A_536 : i1 to i32
        %sign3A_538 = arith.constant 0 : i32
        %sign3A_539 = arith.cmpi slt, %add3A_483, %sign3A_538 : i32
        %sign3A_540 = arith.extui %sign3A_539 : i1 to i32
        %sign3A_541 = arith.subi %sign3A_537, %sign3A_540 : i32
        %sign3A_542 = arith.constant 0 : i32
        %sign3A_543 = arith.cmpi sgt, %jit3A_533, %sign3A_542 : i32
        %sign3A_544 = arith.extui %sign3A_543 : i1 to i32
        %sign3A_545 = arith.constant 0 : i32
        %sign3A_546 = arith.cmpi slt, %jit3A_533, %sign3A_545 : i32
        %sign3A_547 = arith.extui %sign3A_546 : i1 to i32
        %sign3A_548 = arith.subi %sign3A_544, %sign3A_547 : i32
        %ne3A_549 = arith.cmpi ne, %sign3A_541, %sign3A_548 : i32
        %rem3A_550 = arith.remsi %add3A_483, %jit3A_533 : i32
        %ne3A_551 = arith.constant 0 : i32
        %ne3A_552 = arith.cmpi ne, %rem3A_550, %ne3A_551 : i32
        %and3A_553 = arith.andi %ne3A_549, %ne3A_552 : i1
        %sub3A_554 = arith.constant 1 : i32
        %sub3A_555 = arith.subi %div3A_534, %sub3A_554 : i32
        %select_n3A_556 = arith.select %and3A_553, %sub3A_555, %div3A_534 : i32
        %mul3A_557 = arith.constant 8 : i32
        %mul3A_558 = arith.muli %select_n3A_556, %mul3A_557 : i32
        %dma_start3A_559 = arith.constant 0 : i32
        %dma_start3A_560 = arith.constant 0 : i32
        %dma_start3A_561 = arith.constant 0 : i32
        %dma_start3A_562 = arith.constant 0 : i32
        %dma_start3A_563 = tpu.memref_slice %arg8[%dma_start3A_559, %dma_start3A_561, %dma_start3A_562] : memref<2x8x2048xf32, #tpu.memory_space<vmem>> -> memref<1x8x2048xf32, #tpu.memory_space<vmem>>
        %dma_start3A_564 = tpu.memref_squeeze %dma_start3A_563 : memref<1x8x2048xf32, #tpu.memory_space<vmem>> -> memref<8x2048xf32, #tpu.memory_space<vmem>>
        %dma_start3A_565 = tpu.memref_slice %arg6[%mul3A_558] : memref<512xi32, #tpu.memory_space<vmem>> -> memref<8xi32, #tpu.memory_space<vmem>>
        %dma_start3A_566 = arith.constant 0 : i32
        %dma_start3A_567 = tpu.memref_slice %arg2[%dma_start3A_566, %multiple_of3A_529] : memref<16384x4096xf32, #tpu.memory_space<hbm>> -> memref<16384x2048xf32, #tpu.memory_space<hbm>>
        %dma_start3A_568 = tpu.memref_slice %arg11[%dma_start3A_560] : memref<2x!tpu.dma_semaphore, #tpu.memory_space<semaphore_mem>> -> memref<1x!tpu.dma_semaphore, #tpu.memory_space<semaphore_mem>>
        %dma_start3A_569 = tpu.memref_squeeze %dma_start3A_568 : memref<1x!tpu.dma_semaphore, #tpu.memory_space<semaphore_mem>> -> memref<!tpu.dma_semaphore, #tpu.memory_space<semaphore_mem>>
        tpu.enqueue_indirect_dma source(%dma_start3A_567 : memref<16384x2048xf32, #tpu.memory_space<hbm>>) target(%dma_start3A_564 : memref<8x2048xf32, #tpu.memory_space<vmem>>) offsets(%dma_start3A_565 : memref<8xi32, #tpu.memory_space<vmem>>) semaphore(%dma_start3A_569 : memref<!tpu.dma_semaphore, #tpu.memory_space<semaphore_mem>>)
        %dma_start3A_570 = arith.constant 0 : i32
        %dma_start3A_571 = arith.constant 0 : i32
        %dma_start3A_572 = arith.constant 0 : i32
        %dma_start3A_573 = arith.constant 0 : i32
        %dma_start3A_574 = tpu.memref_slice %arg7[%dma_start3A_570, %dma_start3A_572, %dma_start3A_573] : memref<2x8x2048xf32, #tpu.memory_space<vmem>> -> memref<1x8x2048xf32, #tpu.memory_space<vmem>>
        %dma_start3A_575 = tpu.memref_squeeze %dma_start3A_574 : memref<1x8x2048xf32, #tpu.memory_space<vmem>> -> memref<8x2048xf32, #tpu.memory_space<vmem>>
        %dma_start3A_576 = tpu.memref_slice %arg2[%add3A_510, %multiple_of3A_529] : memref<16384x4096xf32, #tpu.memory_space<hbm>> -> memref<8x2048xf32, #tpu.memory_space<hbm>>
        %dma_start3A_577 = tpu.memref_slice %arg12[%dma_start3A_571] : memref<2x!tpu.dma_semaphore, #tpu.memory_space<semaphore_mem>> -> memref<1x!tpu.dma_semaphore, #tpu.memory_space<semaphore_mem>>
        %dma_start3A_578 = tpu.memref_squeeze %dma_start3A_577 : memref<1x!tpu.dma_semaphore, #tpu.memory_space<semaphore_mem>> -> memref<!tpu.dma_semaphore, #tpu.memory_space<semaphore_mem>>
        %dma_start3A_579 = arith.constant 0 : i32
        %dma_start3A_580 = arith.constant 0 : i32
        %dma_start3A_581 = tpu.memref_slice %arg7[%dma_start3A_570, %dma_start3A_579, %dma_start3A_580] : memref<2x8x2048xf32, #tpu.memory_space<vmem>> -> memref<1x8x2048xf32, #tpu.memory_space<vmem>>
        %dma_start3A_582 = tpu.memref_squeeze %dma_start3A_581 : memref<1x8x2048xf32, #tpu.memory_space<vmem>> -> memref<8x2048xf32, #tpu.memory_space<vmem>>
        %dma_start3A_583 = tpu.memref_slice %arg2[%add3A_510, %multiple_of3A_529] : memref<16384x4096xf32, #tpu.memory_space<hbm>> -> memref<8x2048xf32, #tpu.memory_space<hbm>>
        tpu.enqueue_dma source(%dma_start3A_583 : memref<8x2048xf32, #tpu.memory_space<hbm>>) target(%dma_start3A_582 : memref<8x2048xf32, #tpu.memory_space<vmem>>) target_semaphore(%dma_start3A_578 : memref<!tpu.dma_semaphore, #tpu.memory_space<semaphore_mem>>)
        %dma_start3A_584 = arith.constant 0 : i32
        %dma_start3A_585 = arith.constant 0 : i32
        %dma_start3A_586 = arith.constant 0 : i32
        %dma_start3A_587 = arith.constant 0 : i32
        %dma_start3A_588 = tpu.memref_slice %arg9[%dma_start3A_584, %dma_start3A_586, %dma_start3A_587] : memref<2x2x2048xi32, #tpu.memory_space<vmem>> -> memref<1x2x2048xi32, #tpu.memory_space<vmem>>
        %dma_start3A_589 = tpu.memref_squeeze %dma_start3A_588 : memref<1x2x2048xi32, #tpu.memory_space<vmem>> -> memref<2x2048xi32, #tpu.memory_space<vmem>>
        %dma_start3A_590 = tpu.memref_bitcast %arg4 : memref<16384x4096xi8, #tpu.memory_space<hbm>> -> memref<4096x4096xi32, #tpu.memory_space<hbm>>
        %dma_start3A_591 = tpu.memref_slice %dma_start3A_590[%multiple_of3A_532, %multiple_of3A_529] : memref<4096x4096xi32, #tpu.memory_space<hbm>> -> memref<2x2048xi32, #tpu.memory_space<hbm>>
        %dma_start3A_592 = tpu.memref_slice %arg12[%dma_start3A_585] : memref<2x!tpu.dma_semaphore, #tpu.memory_space<semaphore_mem>> -> memref<1x!tpu.dma_semaphore, #tpu.memory_space<semaphore_mem>>
        %dma_start3A_593 = tpu.memref_squeeze %dma_start3A_592 : memref<1x!tpu.dma_semaphore, #tpu.memory_space<semaphore_mem>> -> memref<!tpu.dma_semaphore, #tpu.memory_space<semaphore_mem>>
        %dma_start3A_594 = arith.constant 0 : i32
        %dma_start3A_595 = arith.constant 0 : i32
        %dma_start3A_596 = tpu.memref_slice %arg9[%dma_start3A_584, %dma_start3A_594, %dma_start3A_595] : memref<2x2x2048xi32, #tpu.memory_space<vmem>> -> memref<1x2x2048xi32, #tpu.memory_space<vmem>>
        %dma_start3A_597 = tpu.memref_squeeze %dma_start3A_596 : memref<1x2x2048xi32, #tpu.memory_space<vmem>> -> memref<2x2048xi32, #tpu.memory_space<vmem>>
        %dma_start3A_598 = tpu.memref_bitcast %arg4 : memref<16384x4096xi8, #tpu.memory_space<hbm>> -> memref<4096x4096xi32, #tpu.memory_space<hbm>>
        %dma_start3A_599 = tpu.memref_slice %dma_start3A_598[%multiple_of3A_532, %multiple_of3A_529] : memref<4096x4096xi32, #tpu.memory_space<hbm>> -> memref<2x2048xi32, #tpu.memory_space<hbm>>
        tpu.enqueue_dma source(%dma_start3A_599 : memref<2x2048xi32, #tpu.memory_space<hbm>>) target(%dma_start3A_597 : memref<2x2048xi32, #tpu.memory_space<vmem>>) target_semaphore(%dma_start3A_593 : memref<!tpu.dma_semaphore, #tpu.memory_space<semaphore_mem>>)
      } else {
      }
      %jit3A_293 = arith.constant 2 : i32
      %div3A_294 = arith.divsi %add3A_285, %jit3A_293 : i32
      %sign3A_295 = arith.constant 0 : i32
      %sign3A_296 = arith.cmpi sgt, %add3A_285, %sign3A_295 : i32
      %sign3A_297 = arith.extui %sign3A_296 : i1 to i32
      %sign3A_298 = arith.constant 0 : i32
      %sign3A_299 = arith.cmpi slt, %add3A_285, %sign3A_298 : i32
      %sign3A_300 = arith.extui %sign3A_299 : i1 to i32
      %sign3A_301 = arith.subi %sign3A_297, %sign3A_300 : i32
      %sign3A_302 = arith.constant 0 : i32
      %sign3A_303 = arith.cmpi sgt, %jit3A_293, %sign3A_302 : i32
      %sign3A_304 = arith.extui %sign3A_303 : i1 to i32
      %sign3A_305 = arith.constant 0 : i32
      %sign3A_306 = arith.cmpi slt, %jit3A_293, %sign3A_305 : i32
      %sign3A_307 = arith.extui %sign3A_306 : i1 to i32
      %sign3A_308 = arith.subi %sign3A_304, %sign3A_307 : i32
      %ne3A_309 = arith.cmpi ne, %sign3A_301, %sign3A_308 : i32
      %rem3A_310 = arith.remsi %add3A_285, %jit3A_293 : i32
      %ne3A_311 = arith.constant 0 : i32
      %ne3A_312 = arith.cmpi ne, %rem3A_310, %ne3A_311 : i32
      %and3A_313 = arith.andi %ne3A_309, %ne3A_312 : i1
      %sub3A_314 = arith.constant 1 : i32
      %sub3A_315 = arith.subi %div3A_294, %sub3A_314 : i32
      %select_n3A_316 = arith.select %and3A_313, %sub3A_315, %div3A_294 : i32
      %mul3A_317 = arith.constant 8 : i32
      %mul3A_318 = arith.muli %select_n3A_316, %mul3A_317 : i32
      %add3A_319 = arith.addi %mul3A_2, %mul3A_318 : i32
      %jit3A_320 = arith.constant 2 : i32
      %eq3A_321 = arith.constant 0 : i32
      %eq3A_322 = arith.cmpi eq, %jit3A_320, %eq3A_321 : i32
      %jit3A_323 = arith.constant 1 : i32
      %select_n3A_324 = arith.select %eq3A_322, %jit3A_323, %jit3A_320 : i32
      %rem3A_325 = arith.remsi %add3A_285, %select_n3A_324 : i32
      %ne3A_326 = arith.constant 0 : i32
      %ne3A_327 = arith.cmpi ne, %rem3A_325, %ne3A_326 : i32
      %lt3A_328 = arith.constant 0 : i32
      %lt3A_329 = arith.cmpi slt, %rem3A_325, %lt3A_328 : i32
      %lt3A_330 = arith.constant 0 : i32
      %lt3A_331 = arith.cmpi slt, %select_n3A_324, %lt3A_330 : i32
      %ne3A_332 = arith.xori %lt3A_329, %lt3A_331 : i1
      %and3A_333 = arith.andi %ne3A_332, %ne3A_327 : i1
      %add3A_334 = arith.addi %rem3A_325, %select_n3A_324 : i32
      %select_n3A_335 = arith.select %and3A_333, %add3A_334, %rem3A_325 : i32
      %mul3A_336 = arith.constant 2048 : i32
      %mul3A_337 = arith.muli %select_n3A_335, %mul3A_336 : i32
      %multiple_of3A_338 = tpu.assume_multiple %mul3A_337, 2048 : i32
      %shift_right_arithmetic3A_339 = arith.constant 2 : i32
      %shift_right_arithmetic3A_340 = arith.shrsi %add3A_319, %shift_right_arithmetic3A_339 : i32
      %multiple_of3A_341 = tpu.assume_multiple %shift_right_arithmetic3A_340, 2 : i32
      %jit3A_342 = arith.constant 2 : i32
      %div3A_343 = arith.divsi %add3A_285, %jit3A_342 : i32
      %sign3A_344 = arith.constant 0 : i32
      %sign3A_345 = arith.cmpi sgt, %add3A_285, %sign3A_344 : i32
      %sign3A_346 = arith.extui %sign3A_345 : i1 to i32
      %sign3A_347 = arith.constant 0 : i32
      %sign3A_348 = arith.cmpi slt, %add3A_285, %sign3A_347 : i32
      %sign3A_349 = arith.extui %sign3A_348 : i1 to i32
      %sign3A_350 = arith.subi %sign3A_346, %sign3A_349 : i32
      %sign3A_351 = arith.constant 0 : i32
      %sign3A_352 = arith.cmpi sgt, %jit3A_342, %sign3A_351 : i32
      %sign3A_353 = arith.extui %sign3A_352 : i1 to i32
      %sign3A_354 = arith.constant 0 : i32
      %sign3A_355 = arith.cmpi slt, %jit3A_342, %sign3A_354 : i32
      %sign3A_356 = arith.extui %sign3A_355 : i1 to i32
      %sign3A_357 = arith.subi %sign3A_353, %sign3A_356 : i32
      %ne3A_358 = arith.cmpi ne, %sign3A_350, %sign3A_357 : i32
      %rem3A_359 = arith.remsi %add3A_285, %jit3A_342 : i32
      %ne3A_360 = arith.constant 0 : i32
      %ne3A_361 = arith.cmpi ne, %rem3A_359, %ne3A_360 : i32
      %and3A_362 = arith.andi %ne3A_358, %ne3A_361 : i1
      %sub3A_363 = arith.constant 1 : i32
      %sub3A_364 = arith.subi %div3A_343, %sub3A_363 : i32
      %select_n3A_365 = arith.select %and3A_362, %sub3A_364, %div3A_343 : i32
      %mul3A_366 = arith.constant 8 : i32
      %mul3A_367 = arith.muli %select_n3A_365, %mul3A_366 : i32
      %dma_wait3A_368 = arith.constant 1 : i32
      %dma_wait3A_369 = arith.constant 1 : i32
      %dma_wait3A_370 = arith.constant 0 : i32
      %dma_wait3A_371 = arith.constant 0 : i32
      %dma_wait3A_372 = tpu.memref_slice %arg8[%dma_wait3A_368, %dma_wait3A_370, %dma_wait3A_371] : memref<2x8x2048xf32, #tpu.memory_space<vmem>> -> memref<1x8x2048xf32, #tpu.memory_space<vmem>>
      %dma_wait3A_373 = tpu.memref_squeeze %dma_wait3A_372 : memref<1x8x2048xf32, #tpu.memory_space<vmem>> -> memref<8x2048xf32, #tpu.memory_space<vmem>>
      %dma_wait3A_374 = tpu.memref_slice %arg6[%mul3A_367] : memref<512xi32, #tpu.memory_space<vmem>> -> memref<8xi32, #tpu.memory_space<vmem>>
      %dma_wait3A_375 = arith.constant 0 : i32
      %dma_wait3A_376 = tpu.memref_slice %arg2[%dma_wait3A_375, %multiple_of3A_338] : memref<16384x4096xf32, #tpu.memory_space<hbm>> -> memref<16384x2048xf32, #tpu.memory_space<hbm>>
      %dma_wait3A_377 = tpu.memref_slice %arg11[%dma_wait3A_369] : memref<2x!tpu.dma_semaphore, #tpu.memory_space<semaphore_mem>> -> memref<1x!tpu.dma_semaphore, #tpu.memory_space<semaphore_mem>>
      %dma_wait3A_378 = tpu.memref_squeeze %dma_wait3A_377 : memref<1x!tpu.dma_semaphore, #tpu.memory_space<semaphore_mem>> -> memref<!tpu.dma_semaphore, #tpu.memory_space<semaphore_mem>>
      tpu.wait_indirect_dma semaphore(%dma_wait3A_378 : memref<!tpu.dma_semaphore, #tpu.memory_space<semaphore_mem>>) src(%dma_wait3A_376 : memref<16384x2048xf32, #tpu.memory_space<hbm>>) dst(%dma_wait3A_373 : memref<8x2048xf32, #tpu.memory_space<vmem>>)
      %dma_wait3A_379 = arith.constant 1 : i32
      %dma_wait3A_380 = arith.constant 1 : i32
      %dma_wait3A_381 = arith.constant 0 : i32
      %dma_wait3A_382 = arith.constant 0 : i32
      %dma_wait3A_383 = tpu.memref_slice %arg7[%dma_wait3A_379, %dma_wait3A_381, %dma_wait3A_382] : memref<2x8x2048xf32, #tpu.memory_space<vmem>> -> memref<1x8x2048xf32, #tpu.memory_space<vmem>>
      %dma_wait3A_384 = tpu.memref_squeeze %dma_wait3A_383 : memref<1x8x2048xf32, #tpu.memory_space<vmem>> -> memref<8x2048xf32, #tpu.memory_space<vmem>>
      %dma_wait3A_385 = tpu.memref_slice %arg2[%add3A_319, %multiple_of3A_338] : memref<16384x4096xf32, #tpu.memory_space<hbm>> -> memref<8x2048xf32, #tpu.memory_space<hbm>>
      %dma_wait3A_386 = tpu.memref_slice %arg12[%dma_wait3A_380] : memref<2x!tpu.dma_semaphore, #tpu.memory_space<semaphore_mem>> -> memref<1x!tpu.dma_semaphore, #tpu.memory_space<semaphore_mem>>
      %dma_wait3A_387 = tpu.memref_squeeze %dma_wait3A_386 : memref<1x!tpu.dma_semaphore, #tpu.memory_space<semaphore_mem>> -> memref<!tpu.dma_semaphore, #tpu.memory_space<semaphore_mem>>
      %dma_wait3A_388 = arith.constant 0 : i32
      %dma_wait3A_389 = arith.constant 0 : i32
      %dma_wait3A_390 = tpu.memref_slice %arg7[%dma_wait3A_379, %dma_wait3A_388, %dma_wait3A_389] : memref<2x8x2048xf32, #tpu.memory_space<vmem>> -> memref<1x8x2048xf32, #tpu.memory_space<vmem>>
      %dma_wait3A_391 = tpu.memref_squeeze %dma_wait3A_390 : memref<1x8x2048xf32, #tpu.memory_space<vmem>> -> memref<8x2048xf32, #tpu.memory_space<vmem>>
      %dma_wait3A_392 = tpu.memref_slice %arg2[%add3A_319, %multiple_of3A_338] : memref<16384x4096xf32, #tpu.memory_space<hbm>> -> memref<8x2048xf32, #tpu.memory_space<hbm>>
      tpu.wait_dma2 semaphore(%dma_wait3A_387 : memref<!tpu.dma_semaphore, #tpu.memory_space<semaphore_mem>>) src(%dma_wait3A_392 : memref<8x2048xf32, #tpu.memory_space<hbm>>) dst(%dma_wait3A_391 : memref<8x2048xf32, #tpu.memory_space<vmem>>)
      %dma_wait3A_393 = arith.constant 1 : i32
      %dma_wait3A_394 = arith.constant 1 : i32
      %dma_wait3A_395 = arith.constant 0 : i32
      %dma_wait3A_396 = arith.constant 0 : i32
      %dma_wait3A_397 = tpu.memref_slice %arg9[%dma_wait3A_393, %dma_wait3A_395, %dma_wait3A_396] : memref<2x2x2048xi32, #tpu.memory_space<vmem>> -> memref<1x2x2048xi32, #tpu.memory_space<vmem>>
      %dma_wait3A_398 = tpu.memref_squeeze %dma_wait3A_397 : memref<1x2x2048xi32, #tpu.memory_space<vmem>> -> memref<2x2048xi32, #tpu.memory_space<vmem>>
      %dma_wait3A_399 = tpu.memref_bitcast %arg4 : memref<16384x4096xi8, #tpu.memory_space<hbm>> -> memref<4096x4096xi32, #tpu.memory_space<hbm>>
      %dma_wait3A_400 = tpu.memref_slice %dma_wait3A_399[%multiple_of3A_341, %multiple_of3A_338] : memref<4096x4096xi32, #tpu.memory_space<hbm>> -> memref<2x2048xi32, #tpu.memory_space<hbm>>
      %dma_wait3A_401 = tpu.memref_slice %arg12[%dma_wait3A_394] : memref<2x!tpu.dma_semaphore, #tpu.memory_space<semaphore_mem>> -> memref<1x!tpu.dma_semaphore, #tpu.memory_space<semaphore_mem>>
      %dma_wait3A_402 = tpu.memref_squeeze %dma_wait3A_401 : memref<1x!tpu.dma_semaphore, #tpu.memory_space<semaphore_mem>> -> memref<!tpu.dma_semaphore, #tpu.memory_space<semaphore_mem>>
      %dma_wait3A_403 = arith.constant 0 : i32
      %dma_wait3A_404 = arith.constant 0 : i32
      %dma_wait3A_405 = tpu.memref_slice %arg9[%dma_wait3A_393, %dma_wait3A_403, %dma_wait3A_404] : memref<2x2x2048xi32, #tpu.memory_space<vmem>> -> memref<1x2x2048xi32, #tpu.memory_space<vmem>>
      %dma_wait3A_406 = tpu.memref_squeeze %dma_wait3A_405 : memref<1x2x2048xi32, #tpu.memory_space<vmem>> -> memref<2x2048xi32, #tpu.memory_space<vmem>>
      %dma_wait3A_407 = tpu.memref_bitcast %arg4 : memref<16384x4096xi8, #tpu.memory_space<hbm>> -> memref<4096x4096xi32, #tpu.memory_space<hbm>>
      %dma_wait3A_408 = tpu.memref_slice %dma_wait3A_407[%multiple_of3A_341, %multiple_of3A_338] : memref<4096x4096xi32, #tpu.memory_space<hbm>> -> memref<2x2048xi32, #tpu.memory_space<hbm>>
      tpu.wait_dma2 semaphore(%dma_wait3A_402 : memref<!tpu.dma_semaphore, #tpu.memory_space<semaphore_mem>>) src(%dma_wait3A_408 : memref<2x2048xi32, #tpu.memory_space<hbm>>) dst(%dma_wait3A_406 : memref<2x2048xi32, #tpu.memory_space<vmem>>)
      %ge3A_409 = arith.constant 2 : i32
      %ge3A_410 = arith.cmpi sge, %add3A_285, %ge3A_409 : i32
      %convert_element_type3A_411 = arith.extui %ge3A_410 : i1 to i32
      %cond3A_412 = arith.constant 0 : i32
      %cond3A_413 = arith.cmpi ne, %convert_element_type3A_411, %cond3A_412 : i32
      scf.if %cond3A_413 {
        %sub3A_482 = arith.constant 2 : i32
        %sub3A_483 = arith.subi %add3A_285, %sub3A_482 : i32
        %jit3A_484 = arith.constant 2 : i32
        %div3A_485 = arith.divsi %sub3A_483, %jit3A_484 : i32
        %sign3A_486 = arith.constant 0 : i32
        %sign3A_487 = arith.cmpi sgt, %sub3A_483, %sign3A_486 : i32
        %sign3A_488 = arith.extui %sign3A_487 : i1 to i32
        %sign3A_489 = arith.constant 0 : i32
        %sign3A_490 = arith.cmpi slt, %sub3A_483, %sign3A_489 : i32
        %sign3A_491 = arith.extui %sign3A_490 : i1 to i32
        %sign3A_492 = arith.subi %sign3A_488, %sign3A_491 : i32
        %sign3A_493 = arith.constant 0 : i32
        %sign3A_494 = arith.cmpi sgt, %jit3A_484, %sign3A_493 : i32
        %sign3A_495 = arith.extui %sign3A_494 : i1 to i32
        %sign3A_496 = arith.constant 0 : i32
        %sign3A_497 = arith.cmpi slt, %jit3A_484, %sign3A_496 : i32
        %sign3A_498 = arith.extui %sign3A_497 : i1 to i32
        %sign3A_499 = arith.subi %sign3A_495, %sign3A_498 : i32
        %ne3A_500 = arith.cmpi ne, %sign3A_492, %sign3A_499 : i32
        %rem3A_501 = arith.remsi %sub3A_483, %jit3A_484 : i32
        %ne3A_502 = arith.constant 0 : i32
        %ne3A_503 = arith.cmpi ne, %rem3A_501, %ne3A_502 : i32
        %and3A_504 = arith.andi %ne3A_500, %ne3A_503 : i1
        %sub3A_505 = arith.constant 1 : i32
        %sub3A_506 = arith.subi %div3A_485, %sub3A_505 : i32
        %select_n3A_507 = arith.select %and3A_504, %sub3A_506, %div3A_485 : i32
        %mul3A_508 = arith.constant 8 : i32
        %mul3A_509 = arith.muli %select_n3A_507, %mul3A_508 : i32
        %add3A_510 = arith.addi %mul3A_2, %mul3A_509 : i32
        %jit3A_511 = arith.constant 2 : i32
        %eq3A_512 = arith.constant 0 : i32
        %eq3A_513 = arith.cmpi eq, %jit3A_511, %eq3A_512 : i32
        %jit3A_514 = arith.constant 1 : i32
        %select_n3A_515 = arith.select %eq3A_513, %jit3A_514, %jit3A_511 : i32
        %rem3A_516 = arith.remsi %sub3A_483, %select_n3A_515 : i32
        %ne3A_517 = arith.constant 0 : i32
        %ne3A_518 = arith.cmpi ne, %rem3A_516, %ne3A_517 : i32
        %lt3A_519 = arith.constant 0 : i32
        %lt3A_520 = arith.cmpi slt, %rem3A_516, %lt3A_519 : i32
        %lt3A_521 = arith.constant 0 : i32
        %lt3A_522 = arith.cmpi slt, %select_n3A_515, %lt3A_521 : i32
        %ne3A_523 = arith.xori %lt3A_520, %lt3A_522 : i1
        %and3A_524 = arith.andi %ne3A_523, %ne3A_518 : i1
        %add3A_525 = arith.addi %rem3A_516, %select_n3A_515 : i32
        %select_n3A_526 = arith.select %and3A_524, %add3A_525, %rem3A_516 : i32
        %mul3A_527 = arith.constant 2048 : i32
        %mul3A_528 = arith.muli %select_n3A_526, %mul3A_527 : i32
        %multiple_of3A_529 = tpu.assume_multiple %mul3A_528, 2048 : i32
        %shift_right_arithmetic3A_530 = arith.constant 2 : i32
        %shift_right_arithmetic3A_531 = arith.shrsi %add3A_510, %shift_right_arithmetic3A_530 : i32
        %multiple_of3A_532 = tpu.assume_multiple %shift_right_arithmetic3A_531, 2 : i32
        %dma_wait3A_533 = arith.constant 1 : i32
        %dma_wait3A_534 = arith.constant 1 : i32
        %dma_wait3A_535 = arith.constant 0 : i32
        %dma_wait3A_536 = arith.constant 0 : i32
        %dma_wait3A_537 = tpu.memref_slice %arg10[%dma_wait3A_533, %dma_wait3A_535, %dma_wait3A_536] : memref<2x8x2048xf32, #tpu.memory_space<vmem>> -> memref<1x8x2048xf32, #tpu.memory_space<vmem>>
        %dma_wait3A_538 = tpu.memref_squeeze %dma_wait3A_537 : memref<1x8x2048xf32, #tpu.memory_space<vmem>> -> memref<8x2048xf32, #tpu.memory_space<vmem>>
        %dma_wait3A_539 = tpu.memref_slice %arg5[%add3A_510, %multiple_of3A_529] : memref<16384x4096xf32, #tpu.memory_space<hbm>> -> memref<8x2048xf32, #tpu.memory_space<hbm>>
        %dma_wait3A_540 = tpu.memref_slice %arg13[%dma_wait3A_534] : memref<2x!tpu.dma_semaphore, #tpu.memory_space<semaphore_mem>> -> memref<1x!tpu.dma_semaphore, #tpu.memory_space<semaphore_mem>>
        %dma_wait3A_541 = tpu.memref_squeeze %dma_wait3A_540 : memref<1x!tpu.dma_semaphore, #tpu.memory_space<semaphore_mem>> -> memref<!tpu.dma_semaphore, #tpu.memory_space<semaphore_mem>>
        %dma_wait3A_542 = tpu.memref_slice %arg5[%add3A_510, %multiple_of3A_529] : memref<16384x4096xf32, #tpu.memory_space<hbm>> -> memref<8x2048xf32, #tpu.memory_space<hbm>>
        %dma_wait3A_543 = arith.constant 0 : i32
        %dma_wait3A_544 = arith.constant 0 : i32
        %dma_wait3A_545 = tpu.memref_slice %arg10[%dma_wait3A_533, %dma_wait3A_543, %dma_wait3A_544] : memref<2x8x2048xf32, #tpu.memory_space<vmem>> -> memref<1x8x2048xf32, #tpu.memory_space<vmem>>
        %dma_wait3A_546 = tpu.memref_squeeze %dma_wait3A_545 : memref<1x8x2048xf32, #tpu.memory_space<vmem>> -> memref<8x2048xf32, #tpu.memory_space<vmem>>
        tpu.wait_dma2 semaphore(%dma_wait3A_541 : memref<!tpu.dma_semaphore, #tpu.memory_space<semaphore_mem>>) src(%dma_wait3A_546 : memref<8x2048xf32, #tpu.memory_space<vmem>>) dst(%dma_wait3A_542 : memref<8x2048xf32, #tpu.memory_space<hbm>>)
      } else {
      }
      %scan3A_414 = arith.constant 0 : i32
      %scan3A_415 = arith.constant 128 : i32
      %scan3A_416 = arith.addi %scan3A_414, %scan3A_415 : i32
      %scan3A_417 = arith.constant 1 : i32
      scf.for %scan3A_482 = %scan3A_414 to %scan3A_416 step %scan3A_417  : i32 {
        %mul3A_483 = arith.constant 16 : i32
        %mul3A_484 = arith.muli %scan3A_482, %mul3A_483 : i32
        %get3A = arith.constant 1 : i32
        %get3A_485 = arith.constant 0 : i32
        %get3A_486 = arith.index_cast %get3A : i32 to index
        %get3A_487 = arith.index_cast %get3A_485 : i32 to index
        %get3A_488 = arith.index_cast %mul3A_484 : i32 to index
        %get3A_489 = tpu.vector_load %arg9[%get3A_486, %get3A_487, %get3A_488] {strides = array<i32>} : memref<2x2x2048xi32, #tpu.memory_space<vmem>>, vector<1x1x16xi32>,
        %get3A_490 = vector.shape_cast %get3A_489 : vector<1x1x16xi32> to vector<16xi32>
        %and3A_491 = arith.constant 1 : i32
        %and3A_492 = vector.broadcast %and3A_491 : i32 to vector<16xi32>
        %and3A_493 = arith.andi %get3A_490, %and3A_492 : vector<16xi32>
        %ne3A_494 = arith.constant 0 : i32
        %ne3A_495 = vector.broadcast %ne3A_494 : i32 to vector<16xi32>
        %ne3A_496 = arith.cmpi ne, %and3A_493, %ne3A_495 : vector<16xi32>
        %get3A_497 = arith.constant 1 : i32
        %get3A_498 = arith.constant 0 : i32
        %get3A_499 = arith.index_cast %get3A_497 : i32 to index
        %get3A_500 = arith.index_cast %get3A_498 : i32 to index
        %get3A_501 = arith.index_cast %mul3A_484 : i32 to index
        %get3A_502 = tpu.vector_load %arg7[%get3A_499, %get3A_500, %get3A_501] {strides = array<i32>} : memref<2x8x2048xf32, #tpu.memory_space<vmem>>, vector<1x1x16xf32>,
        %get3A_503 = vector.shape_cast %get3A_502 : vector<1x1x16xf32> to vector<16xf32>
        %get3A_504 = arith.constant 1 : i32
        %get3A_505 = arith.constant 0 : i32
        %get3A_506 = arith.index_cast %get3A_504 : i32 to index
        %get3A_507 = arith.index_cast %get3A_505 : i32 to index
        %get3A_508 = arith.index_cast %mul3A_484 : i32 to index
        %get3A_509 = tpu.vector_load %arg8[%get3A_506, %get3A_507, %get3A_508] {strides = array<i32>} : memref<2x8x2048xf32, #tpu.memory_space<vmem>>, vector<1x1x16xf32>,
        %get3A_510 = vector.shape_cast %get3A_509 : vector<1x1x16xf32> to vector<16xf32>
        %select_n3A_511 = arith.select %ne3A_496, %get3A_510, %get3A_503 : vector<16xi1>, vector<16xf32>
        %swap3A = arith.constant 1 : i32
        %swap3A_512 = arith.constant 0 : i32
        %swap3A_513 = arith.index_cast %swap3A : i32 to index
        %swap3A_514 = arith.index_cast %swap3A_512 : i32 to index
        %swap3A_515 = arith.index_cast %mul3A_484 : i32 to index
        %swap3A_516 = tpu.vector_load %arg10[%swap3A_513, %swap3A_514, %swap3A_515] {strides = array<i32>} : memref<2x8x2048xf32, #tpu.memory_space<vmem>>, vector<1x1x16xf32>,
        %swap3A_517 = vector.shape_cast %swap3A_516 : vector<1x1x16xf32> to vector<16xf32>
        %swap3A_518 = vector.shape_cast %select_n3A_511 : vector<16xf32> to vector<1x1x16xf32>
        tpu.vector_store %arg10[%swap3A_513, %swap3A_514, %swap3A_515], %swap3A_518 {strides = array<i32>} : memref<2x8x2048xf32, #tpu.memory_space<vmem>>, vector<1x1x16xf32>,
        %and3A_519 = arith.constant 256 : i32
        %and3A_520 = vector.broadcast %and3A_519 : i32 to vector<16xi32>
        %and3A_521 = arith.andi %get3A_490, %and3A_520 : vector<16xi32>
        %ne3A_522 = arith.constant 0 : i32
        %ne3A_523 = vector.broadcast %ne3A_522 : i32 to vector<16xi32>
        %ne3A_524 = arith.cmpi ne, %and3A_521, %ne3A_523 : vector<16xi32>
        %get3A_525 = arith.constant 1 : i32
        %get3A_526 = arith.constant 1 : i32
        %get3A_527 = arith.index_cast %get3A_525 : i32 to index
        %get3A_528 = arith.index_cast %get3A_526 : i32 to index
        %get3A_529 = arith.index_cast %mul3A_484 : i32 to index
        %get3A_530 = tpu.vector_load %arg7[%get3A_527, %get3A_528, %get3A_529] {strides = array<i32>} : memref<2x8x2048xf32, #tpu.memory_space<vmem>>, vector<1x1x16xf32>,
        %get3A_531 = vector.shape_cast %get3A_530 : vector<1x1x16xf32> to vector<16xf32>
        %get3A_532 = arith.constant 1 : i32
        %get3A_533 = arith.constant 1 : i32
        %get3A_534 = arith.index_cast %get3A_532 : i32 to index
        %get3A_535 = arith.index_cast %get3A_533 : i32 to index
        %get3A_536 = arith.index_cast %mul3A_484 : i32 to index
        %get3A_537 = tpu.vector_load %arg8[%get3A_534, %get3A_535, %get3A_536] {strides = array<i32>} : memref<2x8x2048xf32, #tpu.memory_space<vmem>>, vector<1x1x16xf32>,
        %get3A_538 = vector.shape_cast %get3A_537 : vector<1x1x16xf32> to vector<16xf32>
        %select_n3A_539 = arith.select %ne3A_524, %get3A_538, %get3A_531 : vector<16xi1>, vector<16xf32>
        %swap3A_540 = arith.constant 1 : i32
        %swap3A_541 = arith.constant 1 : i32
        %swap3A_542 = arith.index_cast %swap3A_540 : i32 to index
        %swap3A_543 = arith.index_cast %swap3A_541 : i32 to index
        %swap3A_544 = arith.index_cast %mul3A_484 : i32 to index
        %swap3A_545 = tpu.vector_load %arg10[%swap3A_542, %swap3A_543, %swap3A_544] {strides = array<i32>} : memref<2x8x2048xf32, #tpu.memory_space<vmem>>, vector<1x1x16xf32>,
        %swap3A_546 = vector.shape_cast %swap3A_545 : vector<1x1x16xf32> to vector<16xf32>
        %swap3A_547 = vector.shape_cast %select_n3A_539 : vector<16xf32> to vector<1x1x16xf32>
        tpu.vector_store %arg10[%swap3A_542, %swap3A_543, %swap3A_544], %swap3A_547 {strides = array<i32>} : memref<2x8x2048xf32, #tpu.memory_space<vmem>>, vector<1x1x16xf32>,
        %and3A_548 = arith.constant 65536 : i32
        %and3A_549 = vector.broadcast %and3A_548 : i32 to vector<16xi32>
        %and3A_550 = arith.andi %get3A_490, %and3A_549 : vector<16xi32>
        %ne3A_551 = arith.constant 0 : i32
        %ne3A_552 = vector.broadcast %ne3A_551 : i32 to vector<16xi32>
        %ne3A_553 = arith.cmpi ne, %and3A_550, %ne3A_552 : vector<16xi32>
        %get3A_554 = arith.constant 1 : i32
        %get3A_555 = arith.constant 2 : i32
        %get3A_556 = arith.index_cast %get3A_554 : i32 to index
        %get3A_557 = arith.index_cast %get3A_555 : i32 to index
        %get3A_558 = arith.index_cast %mul3A_484 : i32 to index
        %get3A_559 = tpu.vector_load %arg7[%get3A_556, %get3A_557, %get3A_558] {strides = array<i32>} : memref<2x8x2048xf32, #tpu.memory_space<vmem>>, vector<1x1x16xf32>,
        %get3A_560 = vector.shape_cast %get3A_559 : vector<1x1x16xf32> to vector<16xf32>
        %get3A_561 = arith.constant 1 : i32
        %get3A_562 = arith.constant 2 : i32
        %get3A_563 = arith.index_cast %get3A_561 : i32 to index
        %get3A_564 = arith.index_cast %get3A_562 : i32 to index
        %get3A_565 = arith.index_cast %mul3A_484 : i32 to index
        %get3A_566 = tpu.vector_load %arg8[%get3A_563, %get3A_564, %get3A_565] {strides = array<i32>} : memref<2x8x2048xf32, #tpu.memory_space<vmem>>, vector<1x1x16xf32>,
        %get3A_567 = vector.shape_cast %get3A_566 : vector<1x1x16xf32> to vector<16xf32>
        %select_n3A_568 = arith.select %ne3A_553, %get3A_567, %get3A_560 : vector<16xi1>, vector<16xf32>
        %swap3A_569 = arith.constant 1 : i32
        %swap3A_570 = arith.constant 2 : i32
        %swap3A_571 = arith.index_cast %swap3A_569 : i32 to index
        %swap3A_572 = arith.index_cast %swap3A_570 : i32 to index
        %swap3A_573 = arith.index_cast %mul3A_484 : i32 to index
        %swap3A_574 = tpu.vector_load %arg10[%swap3A_571, %swap3A_572, %swap3A_573] {strides = array<i32>} : memref<2x8x2048xf32, #tpu.memory_space<vmem>>, vector<1x1x16xf32>,
        %swap3A_575 = vector.shape_cast %swap3A_574 : vector<1x1x16xf32> to vector<16xf32>
        %swap3A_576 = vector.shape_cast %select_n3A_568 : vector<16xf32> to vector<1x1x16xf32>
        tpu.vector_store %arg10[%swap3A_571, %swap3A_572, %swap3A_573], %swap3A_576 {strides = array<i32>} : memref<2x8x2048xf32, #tpu.memory_space<vmem>>, vector<1x1x16xf32>,
        %and3A_577 = arith.constant 16777216 : i32
        %and3A_578 = vector.broadcast %and3A_577 : i32 to vector<16xi32>
        %and3A_579 = arith.andi %get3A_490, %and3A_578 : vector<16xi32>
        %ne3A_580 = arith.constant 0 : i32
        %ne3A_581 = vector.broadcast %ne3A_580 : i32 to vector<16xi32>
        %ne3A_582 = arith.cmpi ne, %and3A_579, %ne3A_581 : vector<16xi32>
        %get3A_583 = arith.constant 1 : i32
        %get3A_584 = arith.constant 3 : i32
        %get3A_585 = arith.index_cast %get3A_583 : i32 to index
        %get3A_586 = arith.index_cast %get3A_584 : i32 to index
        %get3A_587 = arith.index_cast %mul3A_484 : i32 to index
        %get3A_588 = tpu.vector_load %arg7[%get3A_585, %get3A_586, %get3A_587] {strides = array<i32>} : memref<2x8x2048xf32, #tpu.memory_space<vmem>>, vector<1x1x16xf32>,
        %get3A_589 = vector.shape_cast %get3A_588 : vector<1x1x16xf32> to vector<16xf32>
        %get3A_590 = arith.constant 1 : i32
        %get3A_591 = arith.constant 3 : i32
        %get3A_592 = arith.index_cast %get3A_590 : i32 to index
        %get3A_593 = arith.index_cast %get3A_591 : i32 to index
        %get3A_594 = arith.index_cast %mul3A_484 : i32 to index
        %get3A_595 = tpu.vector_load %arg8[%get3A_592, %get3A_593, %get3A_594] {strides = array<i32>} : memref<2x8x2048xf32, #tpu.memory_space<vmem>>, vector<1x1x16xf32>,
        %get3A_596 = vector.shape_cast %get3A_595 : vector<1x1x16xf32> to vector<16xf32>
        %select_n3A_597 = arith.select %ne3A_582, %get3A_596, %get3A_589 : vector<16xi1>, vector<16xf32>
        %swap3A_598 = arith.constant 1 : i32
        %swap3A_599 = arith.constant 3 : i32
        %swap3A_600 = arith.index_cast %swap3A_598 : i32 to index
        %swap3A_601 = arith.index_cast %swap3A_599 : i32 to index
        %swap3A_602 = arith.index_cast %mul3A_484 : i32 to index
        %swap3A_603 = tpu.vector_load %arg10[%swap3A_600, %swap3A_601, %swap3A_602] {strides = array<i32>} : memref<2x8x2048xf32, #tpu.memory_space<vmem>>, vector<1x1x16xf32>,
        %swap3A_604 = vector.shape_cast %swap3A_603 : vector<1x1x16xf32> to vector<16xf32>
        %swap3A_605 = vector.shape_cast %select_n3A_597 : vector<16xf32> to vector<1x1x16xf32>
        tpu.vector_store %arg10[%swap3A_600, %swap3A_601, %swap3A_602], %swap3A_605 {strides = array<i32>} : memref<2x8x2048xf32, #tpu.memory_space<vmem>>, vector<1x1x16xf32>,
        %get3A_606 = arith.constant 1 : i32
        %get3A_607 = arith.constant 1 : i32
        %get3A_608 = arith.index_cast %get3A_606 : i32 to index
        %get3A_609 = arith.index_cast %get3A_607 : i32 to index
        %get3A_610 = arith.index_cast %mul3A_484 : i32 to index
        %get3A_611 = tpu.vector_load %arg9[%get3A_608, %get3A_609, %get3A_610] {strides = array<i32>} : memref<2x2x2048xi32, #tpu.memory_space<vmem>>, vector<1x1x16xi32>,
        %get3A_612 = vector.shape_cast %get3A_611 : vector<1x1x16xi32> to vector<16xi32>
        %and3A_613 = arith.constant 1 : i32
        %and3A_614 = vector.broadcast %and3A_613 : i32 to vector<16xi32>
        %and3A_615 = arith.andi %get3A_612, %and3A_614 : vector<16xi32>
        %ne3A_616 = arith.constant 0 : i32
        %ne3A_617 = vector.broadcast %ne3A_616 : i32 to vector<16xi32>
        %ne3A_618 = arith.cmpi ne, %and3A_615, %ne3A_617 : vector<16xi32>
        %get3A_619 = arith.constant 1 : i32
        %get3A_620 = arith.constant 4 : i32
        %get3A_621 = arith.index_cast %get3A_619 : i32 to index
        %get3A_622 = arith.index_cast %get3A_620 : i32 to index
        %get3A_623 = arith.index_cast %mul3A_484 : i32 to index
        %get3A_624 = tpu.vector_load %arg7[%get3A_621, %get3A_622, %get3A_623] {strides = array<i32>} : memref<2x8x2048xf32, #tpu.memory_space<vmem>>, vector<1x1x16xf32>,
        %get3A_625 = vector.shape_cast %get3A_624 : vector<1x1x16xf32> to vector<16xf32>
        %get3A_626 = arith.constant 1 : i32
        %get3A_627 = arith.constant 4 : i32
        %get3A_628 = arith.index_cast %get3A_626 : i32 to index
        %get3A_629 = arith.index_cast %get3A_627 : i32 to index
        %get3A_630 = arith.index_cast %mul3A_484 : i32 to index
        %get3A_631 = tpu.vector_load %arg8[%get3A_628, %get3A_629, %get3A_630] {strides = array<i32>} : memref<2x8x2048xf32, #tpu.memory_space<vmem>>, vector<1x1x16xf32>,
        %get3A_632 = vector.shape_cast %get3A_631 : vector<1x1x16xf32> to vector<16xf32>
        %select_n3A_633 = arith.select %ne3A_618, %get3A_632, %get3A_625 : vector<16xi1>, vector<16xf32>
        %swap3A_634 = arith.constant 1 : i32
        %swap3A_635 = arith.constant 4 : i32
        %swap3A_636 = arith.index_cast %swap3A_634 : i32 to index
        %swap3A_637 = arith.index_cast %swap3A_635 : i32 to index
        %swap3A_638 = arith.index_cast %mul3A_484 : i32 to index
        %swap3A_639 = tpu.vector_load %arg10[%swap3A_636, %swap3A_637, %swap3A_638] {strides = array<i32>} : memref<2x8x2048xf32, #tpu.memory_space<vmem>>, vector<1x1x16xf32>,
        %swap3A_640 = vector.shape_cast %swap3A_639 : vector<1x1x16xf32> to vector<16xf32>
        %swap3A_641 = vector.shape_cast %select_n3A_633 : vector<16xf32> to vector<1x1x16xf32>
        tpu.vector_store %arg10[%swap3A_636, %swap3A_637, %swap3A_638], %swap3A_641 {strides = array<i32>} : memref<2x8x2048xf32, #tpu.memory_space<vmem>>, vector<1x1x16xf32>,
        %and3A_642 = arith.constant 256 : i32
        %and3A_643 = vector.broadcast %and3A_642 : i32 to vector<16xi32>
        %and3A_644 = arith.andi %get3A_612, %and3A_643 : vector<16xi32>
        %ne3A_645 = arith.constant 0 : i32
        %ne3A_646 = vector.broadcast %ne3A_645 : i32 to vector<16xi32>
        %ne3A_647 = arith.cmpi ne, %and3A_644, %ne3A_646 : vector<16xi32>
        %get3A_648 = arith.constant 1 : i32
        %get3A_649 = arith.constant 5 : i32
        %get3A_650 = arith.index_cast %get3A_648 : i32 to index
        %get3A_651 = arith.index_cast %get3A_649 : i32 to index
        %get3A_652 = arith.index_cast %mul3A_484 : i32 to index
        %get3A_653 = tpu.vector_load %arg7[%get3A_650, %get3A_651, %get3A_652] {strides = array<i32>} : memref<2x8x2048xf32, #tpu.memory_space<vmem>>, vector<1x1x16xf32>,
        %get3A_654 = vector.shape_cast %get3A_653 : vector<1x1x16xf32> to vector<16xf32>
        %get3A_655 = arith.constant 1 : i32
        %get3A_656 = arith.constant 5 : i32
        %get3A_657 = arith.index_cast %get3A_655 : i32 to index
        %get3A_658 = arith.index_cast %get3A_656 : i32 to index
        %get3A_659 = arith.index_cast %mul3A_484 : i32 to index
        %get3A_660 = tpu.vector_load %arg8[%get3A_657, %get3A_658, %get3A_659] {strides = array<i32>} : memref<2x8x2048xf32, #tpu.memory_space<vmem>>, vector<1x1x16xf32>,
        %get3A_661 = vector.shape_cast %get3A_660 : vector<1x1x16xf32> to vector<16xf32>
        %select_n3A_662 = arith.select %ne3A_647, %get3A_661, %get3A_654 : vector<16xi1>, vector<16xf32>
        %swap3A_663 = arith.constant 1 : i32
        %swap3A_664 = arith.constant 5 : i32
        %swap3A_665 = arith.index_cast %swap3A_663 : i32 to index
        %swap3A_666 = arith.index_cast %swap3A_664 : i32 to index
        %swap3A_667 = arith.index_cast %mul3A_484 : i32 to index
        %swap3A_668 = tpu.vector_load %arg10[%swap3A_665, %swap3A_666, %swap3A_667] {strides = array<i32>} : memref<2x8x2048xf32, #tpu.memory_space<vmem>>, vector<1x1x16xf32>,
        %swap3A_669 = vector.shape_cast %swap3A_668 : vector<1x1x16xf32> to vector<16xf32>
        %swap3A_670 = vector.shape_cast %select_n3A_662 : vector<16xf32> to vector<1x1x16xf32>
        tpu.vector_store %arg10[%swap3A_665, %swap3A_666, %swap3A_667], %swap3A_670 {strides = array<i32>} : memref<2x8x2048xf32, #tpu.memory_space<vmem>>, vector<1x1x16xf32>,
        %and3A_671 = arith.constant 65536 : i32
        %and3A_672 = vector.broadcast %and3A_671 : i32 to vector<16xi32>
        %and3A_673 = arith.andi %get3A_612, %and3A_672 : vector<16xi32>
        %ne3A_674 = arith.constant 0 : i32
        %ne3A_675 = vector.broadcast %ne3A_674 : i32 to vector<16xi32>
        %ne3A_676 = arith.cmpi ne, %and3A_673, %ne3A_675 : vector<16xi32>
        %get3A_677 = arith.constant 1 : i32
        %get3A_678 = arith.constant 6 : i32
        %get3A_679 = arith.index_cast %get3A_677 : i32 to index
        %get3A_680 = arith.index_cast %get3A_678 : i32 to index
        %get3A_681 = arith.index_cast %mul3A_484 : i32 to index
        %get3A_682 = tpu.vector_load %arg7[%get3A_679, %get3A_680, %get3A_681] {strides = array<i32>} : memref<2x8x2048xf32, #tpu.memory_space<vmem>>, vector<1x1x16xf32>,
        %get3A_683 = vector.shape_cast %get3A_682 : vector<1x1x16xf32> to vector<16xf32>
        %get3A_684 = arith.constant 1 : i32
        %get3A_685 = arith.constant 6 : i32
        %get3A_686 = arith.index_cast %get3A_684 : i32 to index
        %get3A_687 = arith.index_cast %get3A_685 : i32 to index
        %get3A_688 = arith.index_cast %mul3A_484 : i32 to index
        %get3A_689 = tpu.vector_load %arg8[%get3A_686, %get3A_687, %get3A_688] {strides = array<i32>} : memref<2x8x2048xf32, #tpu.memory_space<vmem>>, vector<1x1x16xf32>,
        %get3A_690 = vector.shape_cast %get3A_689 : vector<1x1x16xf32> to vector<16xf32>
        %select_n3A_691 = arith.select %ne3A_676, %get3A_690, %get3A_683 : vector<16xi1>, vector<16xf32>
        %swap3A_692 = arith.constant 1 : i32
        %swap3A_693 = arith.constant 6 : i32
        %swap3A_694 = arith.index_cast %swap3A_692 : i32 to index
        %swap3A_695 = arith.index_cast %swap3A_693 : i32 to index
        %swap3A_696 = arith.index_cast %mul3A_484 : i32 to index
        %swap3A_697 = tpu.vector_load %arg10[%swap3A_694, %swap3A_695, %swap3A_696] {strides = array<i32>} : memref<2x8x2048xf32, #tpu.memory_space<vmem>>, vector<1x1x16xf32>,
        %swap3A_698 = vector.shape_cast %swap3A_697 : vector<1x1x16xf32> to vector<16xf32>
        %swap3A_699 = vector.shape_cast %select_n3A_691 : vector<16xf32> to vector<1x1x16xf32>
        tpu.vector_store %arg10[%swap3A_694, %swap3A_695, %swap3A_696], %swap3A_699 {strides = array<i32>} : memref<2x8x2048xf32, #tpu.memory_space<vmem>>, vector<1x1x16xf32>,
        %and3A_700 = arith.constant 16777216 : i32
        %and3A_701 = vector.broadcast %and3A_700 : i32 to vector<16xi32>
        %and3A_702 = arith.andi %get3A_612, %and3A_701 : vector<16xi32>
        %ne3A_703 = arith.constant 0 : i32
        %ne3A_704 = vector.broadcast %ne3A_703 : i32 to vector<16xi32>
        %ne3A_705 = arith.cmpi ne, %and3A_702, %ne3A_704 : vector<16xi32>
        %get3A_706 = arith.constant 1 : i32
        %get3A_707 = arith.constant 7 : i32
        %get3A_708 = arith.index_cast %get3A_706 : i32 to index
        %get3A_709 = arith.index_cast %get3A_707 : i32 to index
        %get3A_710 = arith.index_cast %mul3A_484 : i32 to index
        %get3A_711 = tpu.vector_load %arg7[%get3A_708, %get3A_709, %get3A_710] {strides = array<i32>} : memref<2x8x2048xf32, #tpu.memory_space<vmem>>, vector<1x1x16xf32>,
        %get3A_712 = vector.shape_cast %get3A_711 : vector<1x1x16xf32> to vector<16xf32>
        %get3A_713 = arith.constant 1 : i32
        %get3A_714 = arith.constant 7 : i32
        %get3A_715 = arith.index_cast %get3A_713 : i32 to index
        %get3A_716 = arith.index_cast %get3A_714 : i32 to index
        %get3A_717 = arith.index_cast %mul3A_484 : i32 to index
        %get3A_718 = tpu.vector_load %arg8[%get3A_715, %get3A_716, %get3A_717] {strides = array<i32>} : memref<2x8x2048xf32, #tpu.memory_space<vmem>>, vector<1x1x16xf32>,
        %get3A_719 = vector.shape_cast %get3A_718 : vector<1x1x16xf32> to vector<16xf32>
        %select_n3A_720 = arith.select %ne3A_705, %get3A_719, %get3A_712 : vector<16xi1>, vector<16xf32>
        %swap3A_721 = arith.constant 1 : i32
        %swap3A_722 = arith.constant 7 : i32
        %swap3A_723 = arith.index_cast %swap3A_721 : i32 to index
        %swap3A_724 = arith.index_cast %swap3A_722 : i32 to index
        %swap3A_725 = arith.index_cast %mul3A_484 : i32 to index
        %swap3A_726 = tpu.vector_load %arg10[%swap3A_723, %swap3A_724, %swap3A_725] {strides = array<i32>} : memref<2x8x2048xf32, #tpu.memory_space<vmem>>, vector<1x1x16xf32>,
        %swap3A_727 = vector.shape_cast %swap3A_726 : vector<1x1x16xf32> to vector<16xf32>
        %swap3A_728 = vector.shape_cast %select_n3A_720 : vector<16xf32> to vector<1x1x16xf32>
        tpu.vector_store %arg10[%swap3A_723, %swap3A_724, %swap3A_725], %swap3A_728 {strides = array<i32>} : memref<2x8x2048xf32, #tpu.memory_space<vmem>>, vector<1x1x16xf32>,
      }
      %scan3A_418 = arith.constant 128 : i32
      %jit3A_419 = arith.constant 2 : i32
      %div3A_420 = arith.divsi %add3A_285, %jit3A_419 : i32
      %sign3A_421 = arith.constant 0 : i32
      %sign3A_422 = arith.cmpi sgt, %add3A_285, %sign3A_421 : i32
      %sign3A_423 = arith.extui %sign3A_422 : i1 to i32
      %sign3A_424 = arith.constant 0 : i32
      %sign3A_425 = arith.cmpi slt, %add3A_285, %sign3A_424 : i32
      %sign3A_426 = arith.extui %sign3A_425 : i1 to i32
      %sign3A_427 = arith.subi %sign3A_423, %sign3A_426 : i32
      %sign3A_428 = arith.constant 0 : i32
      %sign3A_429 = arith.cmpi sgt, %jit3A_419, %sign3A_428 : i32
      %sign3A_430 = arith.extui %sign3A_429 : i1 to i32
      %sign3A_431 = arith.constant 0 : i32
      %sign3A_432 = arith.cmpi slt, %jit3A_419, %sign3A_431 : i32
      %sign3A_433 = arith.extui %sign3A_432 : i1 to i32
      %sign3A_434 = arith.subi %sign3A_430, %sign3A_433 : i32
      %ne3A_435 = arith.cmpi ne, %sign3A_427, %sign3A_434 : i32
      %rem3A_436 = arith.remsi %add3A_285, %jit3A_419 : i32
      %ne3A_437 = arith.constant 0 : i32
      %ne3A_438 = arith.cmpi ne, %rem3A_436, %ne3A_437 : i32
      %and3A_439 = arith.andi %ne3A_435, %ne3A_438 : i1
      %sub3A_440 = arith.constant 1 : i32
      %sub3A_441 = arith.subi %div3A_420, %sub3A_440 : i32
      %select_n3A_442 = arith.select %and3A_439, %sub3A_441, %div3A_420 : i32
      %mul3A_443 = arith.constant 8 : i32
      %mul3A_444 = arith.muli %select_n3A_442, %mul3A_443 : i32
      %add3A_445 = arith.addi %mul3A_2, %mul3A_444 : i32
      %jit3A_446 = arith.constant 2 : i32
      %eq3A_447 = arith.constant 0 : i32
      %eq3A_448 = arith.cmpi eq, %jit3A_446, %eq3A_447 : i32
      %jit3A_449 = arith.constant 1 : i32
      %select_n3A_450 = arith.select %eq3A_448, %jit3A_449, %jit3A_446 : i32
      %rem3A_451 = arith.remsi %add3A_285, %select_n3A_450 : i32
      %ne3A_452 = arith.constant 0 : i32
      %ne3A_453 = arith.cmpi ne, %rem3A_451, %ne3A_452 : i32
      %lt3A_454 = arith.constant 0 : i32
      %lt3A_455 = arith.cmpi slt, %rem3A_451, %lt3A_454 : i32
      %lt3A_456 = arith.constant 0 : i32
      %lt3A_457 = arith.cmpi slt, %select_n3A_450, %lt3A_456 : i32
      %ne3A_458 = arith.xori %lt3A_455, %lt3A_457 : i1
      %and3A_459 = arith.andi %ne3A_458, %ne3A_453 : i1
      %add3A_460 = arith.addi %rem3A_451, %select_n3A_450 : i32
      %select_n3A_461 = arith.select %and3A_459, %add3A_460, %rem3A_451 : i32
      %mul3A_462 = arith.constant 2048 : i32
      %mul3A_463 = arith.muli %select_n3A_461, %mul3A_462 : i32
      %multiple_of3A_464 = tpu.assume_multiple %mul3A_463, 2048 : i32
      %shift_right_arithmetic3A_465 = arith.constant 2 : i32
      %shift_right_arithmetic3A_466 = arith.shrsi %add3A_445, %shift_right_arithmetic3A_465 : i32
      %multiple_of3A_467 = tpu.assume_multiple %shift_right_arithmetic3A_466, 2 : i32
      %dma_start3A_468 = arith.constant 1 : i32
      %dma_start3A_469 = arith.constant 1 : i32
      %dma_start3A_470 = arith.constant 0 : i32
      %dma_start3A_471 = arith.constant 0 : i32
      %dma_start3A_472 = tpu.memref_slice %arg10[%dma_start3A_468, %dma_start3A_470, %dma_start3A_471] : memref<2x8x2048xf32, #tpu.memory_space<vmem>> -> memref<1x8x2048xf32, #tpu.memory_space<vmem>>
      %dma_start3A_473 = tpu.memref_squeeze %dma_start3A_472 : memref<1x8x2048xf32, #tpu.memory_space<vmem>> -> memref<8x2048xf32, #tpu.memory_space<vmem>>
      %dma_start3A_474 = tpu.memref_slice %arg5[%add3A_445, %multiple_of3A_464] : memref<16384x4096xf32, #tpu.memory_space<hbm>> -> memref<8x2048xf32, #tpu.memory_space<hbm>>
      %dma_start3A_475 = tpu.memref_slice %arg13[%dma_start3A_469] : memref<2x!tpu.dma_semaphore, #tpu.memory_space<semaphore_mem>> -> memref<1x!tpu.dma_semaphore, #tpu.memory_space<semaphore_mem>>
      %dma_start3A_476 = tpu.memref_squeeze %dma_start3A_475 : memref<1x!tpu.dma_semaphore, #tpu.memory_space<semaphore_mem>> -> memref<!tpu.dma_semaphore, #tpu.memory_space<semaphore_mem>>
      %dma_start3A_477 = tpu.memref_slice %arg5[%add3A_445, %multiple_of3A_464] : memref<16384x4096xf32, #tpu.memory_space<hbm>> -> memref<8x2048xf32, #tpu.memory_space<hbm>>
      %dma_start3A_478 = arith.constant 0 : i32
      %dma_start3A_479 = arith.constant 0 : i32
      %dma_start3A_480 = tpu.memref_slice %arg10[%dma_start3A_468, %dma_start3A_478, %dma_start3A_479] : memref<2x8x2048xf32, #tpu.memory_space<vmem>> -> memref<1x8x2048xf32, #tpu.memory_space<vmem>>
      %dma_start3A_481 = tpu.memref_squeeze %dma_start3A_480 : memref<1x8x2048xf32, #tpu.memory_space<vmem>> -> memref<8x2048xf32, #tpu.memory_space<vmem>>
      tpu.enqueue_dma source(%dma_start3A_481 : memref<8x2048xf32, #tpu.memory_space<vmem>>) target(%dma_start3A_477 : memref<8x2048xf32, #tpu.memory_space<hbm>>) target_semaphore(%dma_start3A_476 : memref<!tpu.dma_semaphore, #tpu.memory_space<semaphore_mem>>)
    }
    %scan3A_52 = arith.constant 64 : i32
    %add3A_53 = arith.constant 504 : i32
    %add3A_54 = arith.addi %mul3A_2, %add3A_53 : i32
    %multiple_of3A_55 = arith.constant 0 : i32
    %multiple_of3A_56 = tpu.assume_multiple %multiple_of3A_55, 2048 : i32
    %shift_right_arithmetic3A_57 = arith.constant 2 : i32
    %shift_right_arithmetic3A_58 = arith.shrsi %add3A_54, %shift_right_arithmetic3A_57 : i32
    %multiple_of3A_59 = tpu.assume_multiple %shift_right_arithmetic3A_58, 2 : i32
    %dma_wait3A = arith.constant 0 : i32
    %dma_wait3A_60 = arith.constant 0 : i32
    %dma_wait3A_61 = arith.constant 0 : i32
    %dma_wait3A_62 = arith.constant 0 : i32
    %dma_wait3A_63 = tpu.memref_slice %arg10[%dma_wait3A, %dma_wait3A_61, %dma_wait3A_62] : memref<2x8x2048xf32, #tpu.memory_space<vmem>> -> memref<1x8x2048xf32, #tpu.memory_space<vmem>>
    %dma_wait3A_64 = tpu.memref_squeeze %dma_wait3A_63 : memref<1x8x2048xf32, #tpu.memory_space<vmem>> -> memref<8x2048xf32, #tpu.memory_space<vmem>>
    %dma_wait3A_65 = tpu.memref_slice %arg5[%add3A_54, %multiple_of3A_56] : memref<16384x4096xf32, #tpu.memory_space<hbm>> -> memref<8x2048xf32, #tpu.memory_space<hbm>>
    %dma_wait3A_66 = tpu.memref_slice %arg13[%dma_wait3A_60] : memref<2x!tpu.dma_semaphore, #tpu.memory_space<semaphore_mem>> -> memref<1x!tpu.dma_semaphore, #tpu.memory_space<semaphore_mem>>
    %dma_wait3A_67 = tpu.memref_squeeze %dma_wait3A_66 : memref<1x!tpu.dma_semaphore, #tpu.memory_space<semaphore_mem>> -> memref<!tpu.dma_semaphore, #tpu.memory_space<semaphore_mem>>
    %dma_wait3A_68 = tpu.memref_slice %arg5[%add3A_54, %multiple_of3A_56] : memref<16384x4096xf32, #tpu.memory_space<hbm>> -> memref<8x2048xf32, #tpu.memory_space<hbm>>
    %dma_wait3A_69 = arith.constant 0 : i32
    %dma_wait3A_70 = arith.constant 0 : i32
    %dma_wait3A_71 = tpu.memref_slice %arg10[%dma_wait3A, %dma_wait3A_69, %dma_wait3A_70] : memref<2x8x2048xf32, #tpu.memory_space<vmem>> -> memref<1x8x2048xf32, #tpu.memory_space<vmem>>
    %dma_wait3A_72 = tpu.memref_squeeze %dma_wait3A_71 : memref<1x8x2048xf32, #tpu.memory_space<vmem>> -> memref<8x2048xf32, #tpu.memory_space<vmem>>
    tpu.wait_dma2 semaphore(%dma_wait3A_67 : memref<!tpu.dma_semaphore, #tpu.memory_space<semaphore_mem>>) src(%dma_wait3A_72 : memref<8x2048xf32, #tpu.memory_space<vmem>>) dst(%dma_wait3A_68 : memref<8x2048xf32, #tpu.memory_space<hbm>>)
    %add3A_73 = arith.constant 504 : i32
    %add3A_74 = arith.addi %mul3A_2, %add3A_73 : i32
    %multiple_of3A_75 = arith.constant 2048 : i32
    %multiple_of3A_76 = tpu.assume_multiple %multiple_of3A_75, 2048 : i32
    %shift_right_arithmetic3A_77 = arith.constant 2 : i32
    %shift_right_arithmetic3A_78 = arith.shrsi %add3A_74, %shift_right_arithmetic3A_77 : i32
    %multiple_of3A_79 = tpu.assume_multiple %shift_right_arithmetic3A_78, 2 : i32
    %dma_wait3A_80 = arith.constant 1 : i32
    %dma_wait3A_81 = arith.constant 1 : i32
    %dma_wait3A_82 = arith.constant 0 : i32
    %dma_wait3A_83 = arith.constant 0 : i32
    %dma_wait3A_84 = tpu.memref_slice %arg10[%dma_wait3A_80, %dma_wait3A_82, %dma_wait3A_83] : memref<2x8x2048xf32, #tpu.memory_space<vmem>> -> memref<1x8x2048xf32, #tpu.memory_space<vmem>>
    %dma_wait3A_85 = tpu.memref_squeeze %dma_wait3A_84 : memref<1x8x2048xf32, #tpu.memory_space<vmem>> -> memref<8x2048xf32, #tpu.memory_space<vmem>>
    %dma_wait3A_86 = tpu.memref_slice %arg5[%add3A_74, %multiple_of3A_76] : memref<16384x4096xf32, #tpu.memory_space<hbm>> -> memref<8x2048xf32, #tpu.memory_space<hbm>>
    %dma_wait3A_87 = tpu.memref_slice %arg13[%dma_wait3A_81] : memref<2x!tpu.dma_semaphore, #tpu.memory_space<semaphore_mem>> -> memref<1x!tpu.dma_semaphore, #tpu.memory_space<semaphore_mem>>
    %dma_wait3A_88 = tpu.memref_squeeze %dma_wait3A_87 : memref<1x!tpu.dma_semaphore, #tpu.memory_space<semaphore_mem>> -> memref<!tpu.dma_semaphore, #tpu.memory_space<semaphore_mem>>
    %dma_wait3A_89 = tpu.memref_slice %arg5[%add3A_74, %multiple_of3A_76] : memref<16384x4096xf32, #tpu.memory_space<hbm>> -> memref<8x2048xf32, #tpu.memory_space<hbm>>
    %dma_wait3A_90 = arith.constant 0 : i32
    %dma_wait3A_91 = arith.constant 0 : i32
    %dma_wait3A_92 = tpu.memref_slice %arg10[%dma_wait3A_80, %dma_wait3A_90, %dma_wait3A_91] : memref<2x8x2048xf32, #tpu.memory_space<vmem>> -> memref<1x8x2048xf32, #tpu.memory_space<vmem>>
    %dma_wait3A_93 = tpu.memref_squeeze %dma_wait3A_92 : memref<1x8x2048xf32, #tpu.memory_space<vmem>> -> memref<8x2048xf32, #tpu.memory_space<vmem>>
    tpu.wait_dma2 semaphore(%dma_wait3A_88 : memref<!tpu.dma_semaphore, #tpu.memory_space<semaphore_mem>>) src(%dma_wait3A_93 : memref<8x2048xf32, #tpu.memory_space<vmem>>) dst(%dma_wait3A_89 : memref<8x2048xf32, #tpu.memory_space<hbm>>)
    return
  }
}

</mosaic_0001>

<sc_bundles>
// kernel: _cutmix_sc.3.cloned.1.call-start
scs
__scs_entry_jumppad:
0x0: {  	(pc) =	sbr.rel $0x88, $3  }
0x1: {  	(tag) =	ssettag $0x0;
	lr =	simm.s32 $0x1  }
0x2: {  	[smem:$0x3F9E] =	sst lr;
	_ =	strace $0xD0000000  }
0x3: {  	_ = 	snop  }
0x4: {  	_ = 	snop  }
0x5: {  	_ = 	snop  }
0x6: {  	_ = 	snop  }
0x7: {  	_ = 	snop  }
__scs_overlays_trampoline_lowered:
0x8: {  	[smem:$0x3FAD] =	sst s0  }
0x9: {  	[smem:$0x3FAE] =	sst s1  }
0xa: {  	[smem:$0x3FAF] =	sst s2  }
0xb: {  	[smem:$0x3FB0] =	sst s3  }
0xc: {  	[smem:$0x3FB1] =	sst s4  }
0xd: {  	[smem:$0x3FB2] =	sst s5  }
0xe: {  	[smem:$0x3FB3] =	sst s6  }
0xf: {  	[smem:$0x3FB4] =	sst s7  }
0x10: {  	[smem:$0x3FB5] =	sst s8  }
0x11: {  	[smem:$0x3FB6] =	sst s9;
	s0 =	simm.s32 @!p0 $0x0  }
0x12: {  	s1 =	sld [smem:$0x3F9C];
	s0 =	simm.s32 @p0 $0x1  }
0x13: {  	[smem:$0x3FB7] =	sst s0;
	s0 =	simm.s32 @!p1 $0x0  }
0x14: {  	s2 =	sld [smem:$0x3F9B];
	s0 =	simm.s32 @p1 $0x1  }
0x15: {  	[smem:$0x3FB8] =	sst s0;
	s0 =	simm.s32 @!p2 $0x0  }
0x16: {  	s3 =	sld [smem:$0x3FDB];
	s0 =	simm.s32 @p2 $0x1  }
0x17: {  	s4 =	simm.s32 $0x1BF5;
	[smem:$0x3FBA] =	sst s0  }
0x18: {  	s0 =	sld [smem:$0x3F9D];
	_ =	swait.ge [sflag:s4], $0x0  }
0x19: {  	s7 =	sld [smem:$0x3F9E]  }
0x1a: {  	s8 =	sadd.s32 $0xFFFFE003, lr  }
0x1b: {  	s9 =	sadd.s32 $0xFFFFFEF7, lr;
	s5 =	simm.s32 $0xFFFFFFFF;
	p2 =	slt.u32 s8, $0xFFFFF086  }
0x1c: {  	p1 =	slt.u32 s9, $0xF7A;
	s5 =	simm.s32 @!p2 $0x0  }
0x1d: {  	s5 =	simm.s32 @p1 $0x1;
	p0 =	seq.s32 s7, s2  }
0x1e: {  	s7 =	smul.u32 @!p0 $0xF7A, s2;
	p2 =	seq.s32 @!p0 s5, $0x0  }
0x1f: {  	s9 =	smul.u32 $0xF7A, s1;
	s8 =	simm.s32 @!p0 $0x1BF5;
	p2 =	por !p2, p0  }
0x20: {  	[sflag:s8] =	ssyncset.s32 @!p0 $0xFFFFF086;
	s6 =	sadd.s32 @!p0 s3, s7;
	s7 =	simm.s32 @!p0 $0x108  }
0x21: {  	s3 =	sadd.s32 s3, s9;
	s6 =	sadd.s32 @!p0 $0x88, s6;
	s7 =	simm.s32 @p2 $0x1082  }
0x22: {  	[simem:s7], [sflag:s8] =	dma.local @!p0 [hbm:s6], $0xF7A  }
0x23: {  	s9 =	sor.u32 $0xD0000000, s2;
	s6 =	simm.s32 $0x108;
	_ =	swait.ge @!p0 [sflag:s8], $0x0  }
0x24: {  	s3 =	sadd.s32 $0x88, s3;
	s6 =	simm.s32 @!p1 $0x1082;
	[sflag:s4] =	ssyncset.s32 $0xFFFFF086  }
0x25: {  	[simem:s6], [sflag:s4] =	dma.local [hbm:s3], $0xF7A  }
0x26: {  	[smem:$0x3F9E] =	sst s1;
	(tag) =	ssettag s2;
	_ =	strace s9  }
0x27: {  	s1 =	sld [smem:$0x3FAE]  }
0x28: {  	s2 =	sld [smem:$0x3FAF]  }
0x29: {  	s4 =	sld [smem:$0x3FB1]  }
0x2a: {  	p0 =	seq.s32 s5, $0x0;
	s5 =	sld [smem:$0x3FB2]  }
0x2b: {  	s6 =	sld [smem:$0x3FB3]  }
0x2c: {  	s7 =	sld [smem:$0x3FB4]  }
0x2d: {  	s3 =	simm.s32 $0x108;
	s8 =	sld [smem:$0x3FB5]  }
0x2e: {  	s3 =	simm.s32 @!p0 $0x1082;
	s9 =	sld [smem:$0x3FB6]  }
0x2f: {  	lr =	sadd.s32 s0, s3;
	s0 =	sld [smem:$0x3FAD]  }
0x30: {  	s3 =	sld [smem:$0x3FB0]  }
0x31: {  	[smem:$0x3FB9] =	sst s10  }
0x32: {  	s10 =	sld [smem:$0x3FB7];
	_ =	sdelay $0x3  }
0x33: {  	p0 =	seq.s32 s10, $0x1;
	s10 =	sld [smem:$0x3FB9];
	_ =	sdelay $0x3  }
0x34: {  	[smem:$0x3FB9] =	sst s10  }
0x35: {  	s10 =	sld [smem:$0x3FB8];
	_ =	sdelay $0x3  }
0x36: {  	p1 =	seq.s32 s10, $0x1;
	s10 =	sld [smem:$0x3FB9];
	_ =	sdelay $0x3  }
0x37: {  	[smem:$0x3FB9] =	sst s10  }
0x38: {  	s10 =	sld [smem:$0x3FBA]  }
0x39: {  	_ = 	snop;
	(pc) =	sbr.ind lr, $3  }
0x3a: {  	_ = 	snop  }
0x3b: {  	_ = 	snop  }
0x3c: {  	p2 =	seq.s32 s10, $0x1;
	s10 =	sld [smem:$0x3FB9]  }
0x3d: {  	_ =	shalt  }
0x3e: {  	_ =	shalt  }
0x3f: {  	_ =	shalt  }
0x40: {  	_ =	shalt  }
0x41: {  	_ =	shalt  }
0x42: {  	_ =	shalt  }
0x43: {  	_ =	shalt  }
0x44: {  	_ =	shalt  }
0x45: {  	_ =	shalt  }
0x46: {  	_ =	shalt  }
0x47: {  	_ =	shalt  }
0x48: {  	_ =	shalt  }
0x49: {  	_ =	shalt  }
0x4a: {  	_ =	shalt  }
0x4b: {  	_ =	shalt  }
0x4c: {  	_ =	shalt  }
0x4d: {  	_ =	shalt  }
0x4e: {  	_ =	shalt  }
0x4f: {  	_ =	shalt  }
0x50: {  	_ =	shalt  }
0x51: {  	_ =	shalt  }
0x52: {  	_ =	shalt  }
0x53: {  	_ =	shalt  }
0x54: {  	_ =	shalt  }
0x55: {  	_ =	shalt  }
0x56: {  	_ =	shalt  }
0x57: {  	_ =	shalt  }
0x58: {  	_ =	shalt  }
0x59: {  	_ =	shalt  }
0x5a: {  	_ =	shalt  }
0x5b: {  	_ =	shalt  }
0x5c: {  	_ =	shalt  }
0x5d: {  	_ =	shalt  }
0x5e: {  	_ =	shalt  }
0x5f: {  	_ =	shalt  }
0x60: {  	_ =	shalt  }
0x61: {  	_ =	shalt  }
0x62: {  	_ =	shalt  }
0x63: {  	_ =	shalt  }
0x64: {  	_ =	shalt  }
0x65: {  	_ =	shalt  }
0x66: {  	_ =	shalt  }
0x67: {  	_ =	shalt  }
0x68: {  	_ =	shalt  }
0x69: {  	_ =	shalt  }
0x6a: {  	_ =	shalt  }
0x6b: {  	_ =	shalt  }
0x6c: {  	_ =	shalt  }
0x6d: {  	_ =	shalt  }
0x6e: {  	_ =	shalt  }
0x6f: {  	_ =	shalt  }
0x70: {  	_ =	shalt  }
0x71: {  	_ =	shalt  }
0x72: {  	_ =	shalt  }
0x73: {  	_ =	shalt  }
0x74: {  	_ =	shalt  }
0x75: {  	_ =	shalt  }
0x76: {  	_ =	shalt  }
0x77: {  	_ =	shalt  }
0x78: {  	_ =	shalt  }
0x79: {  	_ =	shalt  }
0x7a: {  	_ =	shalt  }
0x7b: {  	_ =	shalt  }
0x7c: {  	_ =	shalt  }
0x7d: {  	_ =	shalt  }
0x7e: {  	_ =	shalt  }
0x7f: {  	_ =	shalt  }
0x80: {  	_ =	shalt  }
0x81: {  	_ =	shalt  }
0x82: {  	_ =	shalt  }
0x83: {  	_ =	shalt  }
0x84: {  	_ =	shalt  }
0x85: {  	_ =	shalt  }
0x86: {  	_ =	shalt  }
0x87: {  	_ =	shalt  }
.Lfunc_end0:
.L_simem_size_0:
called_computation_lowered:
.L_overlay_start_0:
0x88: {  	s2 =	sld [smem:$0x3FD9]  }
0x89: {  	s3 =	sld [smem:$0x3FFE];
	_ =	sdelay $0x1  }
0x8a: {  	s1 =	srdreg.scid  }
0x8b: {  	s0 =	sand.u32 $0x1, s1  }
0x8c: {  	s17 =	sshll.u32 s0, $0xA;
	s2 =	sadd.s32 s3, s2  }
0x8d: {  	s2 =	sadd.s32 s2, s17  }
0x8e: {  	[smem:$0x3FC5] =	sst s2  }
0x8f: {  	_ = 	snop  }
0x90: {  	s2 =	sld [smem:$0x3FC9]  }
0x91: {  	s18 =	sld [smem:$0x3FC8]  }
0x92: {  	s4 =	sld [smem:$0x3FD0];
	(tm) =	ssettm $0x1  }
0x93: {  	s5 =	sld [smem:$0x3FFB];
	_ =	sdelay $0x3  }
0x94: {  	_ =	strace s5  }
0x95: {  	s5 =	sld [smem:$0x3FFC];
	_ =	sdelay $0x3  }
0x96: {  	_ =	strace s5  }
0x97: {  	s5 =	sld [smem:$0x3FFD];
	_ =	sdelay $0x3  }
0x98: {  	_ =	strace s5  }
0x99: {  	_ =	strace $0x8FFFFFFF  }
0x9a: {  	s19 =	sld [smem:$0x3FDB];
	_ =	sdelay $0x1  }
0x9b: {  	s6 =	simm.s32 $_scs_section_size  }
0x9c: {  	s7 =	simm.s32 $_size__tile_overlayer_lowered;
	s8 =	simm.s32 $_tile_overlayer_lowered  }
0x9d: {  	s22 =	simm.s32 $0x1BFF;
	s21 =	sshll.u32 s8, $0x1;
	s5 =	sadd.s32 s6, s19  }
0x9e: {  	s9 =	simm.s32 $0x0;
	s20 =	sshll.u32 s7, $0x1;
	s7 =	sadd.s32 s21, s5  }
0x9f: {  	[timem:s9], [sflag:s22] =	dma.local [hbm:s7], s20  }
0xa0: {  	_ =	swait.ge [sflag:s22], s20  }
0xa1: {  	s6 =	ssub.s32 $0x0, s20;
	[sflag:s22] =	ssyncset.done $0x0  }
0xa2: {  	[sflag:s22] =	ssyncadd.s32 s6;
	_ =	sdelay $0x1  }
0xa3: {  	s23 =	simm.s32 $0x1B8B  }
0xa4: {  	_ =	swait.ge [sflag:s23], $0x1  }
0xa5: {  	[sflag:s23] =	ssyncset.done $0x0  }
0xa6: {  	s25 =	simm.s32 $0x1B8E;
	s24 =	sld [smem:$0x3FFE];
	[sflag:s23] =	ssyncadd.s32 $0xFFFFFFFF  }
0xa7: {  	s26 =	simm.s32 $execute0_lowered;
	[smem:$0x3FD2] =	sst s25  }
0xa8: {  	s7 =	sshll.u32 s26, $0x1;
	_ =	strace $0x80000046;
	[dreg:$0x1] =	wrdreg $0xFFFFFFFF  }
0xa9: {  	s28 =	simm.s32 $_size_execute0_lowered;
	s5 =	sadd.s32 s5, s7;
	[dreg:$0x0] =	wrdreg $0x0  }
0xaa: {  	s7 =	sshll.u32 s28, $0x1;
	[dreg:$0x2] =	wrdreg s5  }
0xab: {  	[dreg:$0x3] =	wrdreg s7  }
0xac: {  	[dreg:$0x4] =	wrdreg $0xC0  }
0xad: {  	_ =	task [dreg:s9], $0x5FFFF  }
0xae: {  	[dreg:$0x1] =	wrdreg $0xFFFFFFFF  }
0xaf: {  	[dreg:$0x0] =	wrdreg $0x60  }
0xb0: {  	[dreg:$0x2] =	wrdreg s2  }
0xb1: {  	[dreg:$0x3] =	wrdreg s18  }
0xb2: {  	[dreg:$0x4] =	wrdreg s24  }
0xb3: {  	[dreg:$0x5] =	wrdreg s4  }
0xb4: {  	[dreg:$0x6] =	wrdreg $0x9  }
0xb5: {  	_ =	task.clear_ibuf [dreg:s9], $0x7FFFF;
	_ =	strace $0x90000046  }
0xb6: {  	s29 =	simm.s32 $0x9;
	_ =	strace $0x80000048  }
0xb7: {  	_ =	swait.ge [sflag:s29], $0x1  }
0xb8: {  	[sflag:s29] =	ssyncadd.s32 $0xFFFFFFFF  }
0xb9: {  	_ =	strace $0x90000048  }
0xba: {  	_ =	sfence  }
0xbb: {  	s30 =	sld [smem:$0x0];
	_ =	sdelay $0x2  }
0xbc: {  	s31 =	sshll.u32 s1, $0xD;
	s1 =	sshrl.u32 s1, $0x2  }
0xbd: {  	s3 =	sand.u32 $0x4000, s31;
	s1 =	sadd.s32 s1, s30  }
0xbe: {  	s0 =	sor.u32 s3, s0;
	s1 =	sshll.u32 s1, $0x11  }
0xbf: {  	s0 =	sor.u32 s1, s0  }
0xc0: {  	s0 =	sadd.s32 $0x8F2B, s0  }
0xc1: {  	[sflag:s0] =	ssyncadd.remote.s32 $0x1  }
0xc2: {  	_ =	sfence.sel $0xFFFF  }
0xc3: {  	[dreg:$0x0] =	wrdreg $0xFFFFFFFF;
	(pc) =	sbr.abs _section_cstart, $3  }
0xc4: {  	[dreg:$0x1] =	wrdreg $0xFFFFFFFF  }
0xc5: {  	_ =	task.clear_ibuf [dreg:s9], $0x2FFFF;
	_ =	strace $0x9FFFFFFF  }
0xc6: {  	(tm) =	ssettm $0x7FFFFFFF  }
0xc7: {  	_ =	shalt  }
tec
execute0_lowered:
.L_overlay_start_1:
0x0: {  	(tag) =	ssettag $0x1  }
0x1: {  	s1 =	rddreg [dreg:$0x0]  }
0x2: {  	s0 =	rddreg [dreg:$0x1]  }
0x3: {  	s2 =	rddreg [dreg:$0x2]  }
0x4: {  	s16 =	rddreg [dreg:$0x3];
	s3 =	srdreg.scid  }
0x5: {  	s5 =	stileid.u32;
	s4 =	simm.s32 $0x0;
	s17 =	simm.s32 $0x12200  }
0x6: {  	s21 =	simm.s32 $0x2;
	s22 =	simm.s32 $0x4;
	s25 =	simm.s32 $0x0  }
0x7: {  	s3 =	sand.u32 $0x1, s3;
	s5 =	sshll.u32 s5, $0xA;
	[smem:$0x7FF] =	sst s4  }
0x8: {  	s7 =	sadd.s32 $0x400, s2;
	s9 =	sadd.s32 $0x100, s1;
	s10 =	sadd.s32 $0x200, s1  }
0x9: {  	s11 =	sadd.s32 $0x300, s1;
	s12 =	sadd.s32 $0x400, s1;
	s13 =	sadd.s32 $0x500, s1  }
0xa: {  	s14 =	sadd.s32 $0x600, s1;
	s15 =	sadd.s32 $0x700, s1;
	s18 =	sadd.s32 $0x800, s1  }
0xb: {  	s19 =	sadd.s32 $0x600, s2;
	s20 =	sadd.s32 $0x800, s16;
	s6 =	sshll.u32 s3, $0x9  }
0xc: {  	s2 =	simm.s32 $0x11200;
	s16 =	simm.s32 $0x3;
	s5 =	sor.u32 s6, s5  }
0xd: {  	s3 =	ssub.s32 $0x2, s3;
	_ =	strace $0x80000047;
	s6 =	sshrl.u32 s5, $0x3  }
0xe: {  	s8 =	sshrl.u32 s3, $0x1;
	s29 =	sshll.u32 s5, $0x7;
	s0 =	sadd.s32 s0, s6  }
0xf: {  	s3 =	ssub.s32 s3, s8;
	s30 =	sadd.s32 s7, s29;
	[dreg:$0x5] =	wrdreg s0  }
0x10: {  	v0 =	vlaneseq.u32;
	s28 =	sshll.u32 s5, $0x9;
	s31 =	smax.u32 s3, $0x1;
	[dreg:$0x7] =	wrdreg s30  }
0x11: {  	v1 =	vshrl.u32 v0, $0x3;
	s8 =	simm.s32 $0x1;
	s0 =	sadd.s32 s1, s28;
	[dreg:$0x8] =	wrdreg s31  }
0x12: {  	vm0 =	vmmov $0xffff;
	v0 =	vand.u32 $0x7, v0;
	v1 =	vmul.u32 $0x8, v1;
	s3 =	simm.s32 $0x16200;
	[dreg:$0x6] =	wrdreg s0;
	s0 =	simm.s32 $0x4200  }
.LBB2_1:
0x13: {  	[dreg:$0x9] =	wrdreg s25  }
0x14: {  	s23 =	rddreg [dreg:$0x5];
	s26 =	simm.s32 $0x7  }
0x15: {  	[tilespmem:s4], [sflag:$0x7] =	stream.linear.gather [hbm4b:s23+s4], $0x200, $0x38;
	[tilespmem:$0x1A200] =	vst v63  }
0x16: {  	_ =	swait.ge [sflag:s26], $0x200  }
0x17: {  	[sflag:s26] =	ssyncset.done $0x0  }
0x18: {  	[sflag:s26] =	ssyncadd.s32 $0xFFFFFE00  }
0x19: {  	v2 =	vld.msk [tilespmem:$0x0], $0xff;
	_ =	sdelay $0x4  }
0x1a: {  	v3 =	vshll.u32 v2, $0x5  }
0x1b: {  	v2 =	vand.u32 $0x7, v2;
	v3 =	vand.u32 $0xFFFFFF00, v3  }
0x1c: {  	v2 =	vor.u32 v2, v3  }
0x1d: {  	v2 =	vperm.xlane v2, v0;
	_ =	sdelay $0x1  }
0x1e: {  	v2 =	vadd.s32 v1, v2;
	_ =	sdelay $0x3  }
0x1f: {  	s28 =	simm.s32 $0x8200  }
0x20: {  	[tilespmem:s28], [sflag:$0x1] =	stream.indirect_vreg.gather [hbm4b:s1+s4], $0x80, v2, vm0, $0xb8;
	[tilespmem:$0x1A200] =	vst v63  }
0x21: {  	s29 =	simm.s32 $0x8A00  }
0x22: {  	[tilespmem:s29], [sflag:$0x1] =	stream.indirect_vreg.gather [hbm4b:s9+s4], $0x80, v2, vm0, $0xb8;
	[tilespmem:$0x1A200] =	vst v63  }
0x23: {  	s30 =	simm.s32 $0x9200  }
0x24: {  	[tilespmem:s30], [sflag:$0x1] =	stream.indirect_vreg.gather [hbm4b:s10+s4], $0x80, v2, vm0, $0xb8;
	[tilespmem:$0x1A200] =	vst v63  }
0x25: {  	s31 =	simm.s32 $0x9A00  }
0x26: {  	[tilespmem:s31], [sflag:$0x1] =	stream.indirect_vreg.gather [hbm4b:s11+s4], $0x80, v2, vm0, $0xb8;
	[tilespmem:$0x1A200] =	vst v63  }
0x27: {  	s24 =	simm.s32 $0xA200  }
0x28: {  	[tilespmem:s24], [sflag:$0x1] =	stream.indirect_vreg.gather [hbm4b:s12+s4], $0x80, v2, vm0, $0xb8;
	[tilespmem:$0x1A200] =	vst v63  }
0x29: {  	s25 =	simm.s32 $0xAA00  }
0x2a: {  	[tilespmem:s25], [sflag:$0x1] =	stream.indirect_vreg.gather [hbm4b:s13+s4], $0x80, v2, vm0, $0xb8;
	[tilespmem:$0x1A200] =	vst v63  }
0x2b: {  	s26 =	simm.s32 $0xB200  }
0x2c: {  	[tilespmem:s26], [sflag:$0x1] =	stream.indirect_vreg.gather [hbm4b:s14+s4], $0x80, v2, vm0, $0xb8;
	[tilespmem:$0x1A200] =	vst v63  }
0x2d: {  	s28 =	simm.s32 $0xBA00  }
0x2e: {  	[tilespmem:s28], [sflag:$0x1] =	stream.indirect_vreg.gather [hbm4b:s15+s4], $0x80, v2, vm0, $0xb8;
	[tilespmem:$0x1A200] =	vst v63  }
0x2f: {  	s29 =	rddreg [dreg:$0x6];
	s24 =	simm.s32 $0x200  }
0x30: {  	[tilespmem:s24], [sflag:$0x3] =	stream.linear.gather [hbm4b:s29+s4], $0x4000, $0x38;
	[tilespmem:$0x1A200] =	vst v63  }
0x31: {  	s23 =	simm.s32 $0x0;
	s30 =	rddreg [dreg:$0x7];
	s31 =	simm.s32 $0x10200  }
0x32: {  	[tilespmem:s31], [sflag:$0x3] =	stream.linear.gather [hbm4b:s30+s4], $0x1000, $0x38;
	[tilespmem:$0x1A200] =	vst v63  }
.LBB2_2:
0x33: {  	s24 =	sshll.u32 s23, $0x3  }
0x34: {  	v2 =	vld.msk [tilespmem:s24+$0x0], $0xff;
	_ =	sdelay $0x4  }
0x35: {  	v3 =	vshll.u32 v2, $0x5  }
0x36: {  	v2 =	vand.u32 $0x7, v2;
	v3 =	vand.u32 $0xFFFFFF00, v3  }
0x37: {  	v2 =	vor.u32 v2, v3  }
0x38: {  	v2 =	vperm.xlane v2, v0;
	_ =	sdelay $0x1  }
0x39: {  	v2 =	vadd.s32 v1, v2;
	_ =	sdelay $0x3  }
0x3a: {  	s25 =	simm.s32 $0xC200  }
0x3b: {  	[tilespmem:s25], [sflag:$0x2] =	stream.indirect_vreg.gather [hbm4b:s18+s4], $0x80, v2, vm0, $0xb8;
	[tilespmem:$0x1A200] =	vst v63  }
0x3c: {  	s31 =	sadd.s32 $0x100, s18;
	s26 =	simm.s32 $0xCA00  }
0x3d: {  	[tilespmem:s26], [sflag:$0x2] =	stream.indirect_vreg.gather [hbm4b:s31+s4], $0x80, v2, vm0, $0xb8;
	[tilespmem:$0x1A200] =	vst v63  }
0x3e: {  	s30 =	sadd.s32 $0x200, s18;
	s31 =	simm.s32 $0xD200  }
0x3f: {  	[tilespmem:s31], [sflag:$0x2] =	stream.indirect_vreg.gather [hbm4b:s30+s4], $0x80, v2, vm0, $0xb8;
	[tilespmem:$0x1A200] =	vst v63  }
0x40: {  	s30 =	sadd.s32 $0x300, s18;
	s31 =	simm.s32 $0xDA00  }
0x41: {  	[tilespmem:s31], [sflag:$0x2] =	stream.indirect_vreg.gather [hbm4b:s30+s4], $0x80, v2, vm0, $0xb8;
	[tilespmem:$0x1A200] =	vst v63  }
0x42: {  	s30 =	sadd.s32 $0x400, s18;
	s31 =	simm.s32 $0xE200  }
0x43: {  	[tilespmem:s31], [sflag:$0x2] =	stream.indirect_vreg.gather [hbm4b:s30+s4], $0x80, v2, vm0, $0xb8;
	[tilespmem:$0x1A200] =	vst v63  }
0x44: {  	s30 =	sadd.s32 $0x500, s18;
	s31 =	simm.s32 $0xEA00  }
0x45: {  	[tilespmem:s31], [sflag:$0x2] =	stream.indirect_vreg.gather [hbm4b:s30+s4], $0x80, v2, vm0, $0xb8;
	[tilespmem:$0x1A200] =	vst v63  }
0x46: {  	s25 =	sor.u32 s5, s24;
	s30 =	sadd.s32 $0x600, s18;
	s31 =	simm.s32 $0xF200  }
0x47: {  	[tilespmem:s31], [sflag:$0x2] =	stream.indirect_vreg.gather [hbm4b:s30+s4], $0x80, v2, vm0, $0xb8;
	[tilespmem:$0x1A200] =	vst v63  }
0x48: {  	s28 =	simm.s32 $0xFA00;
	s30 =	sadd.s32 $0x700, s18;
	s31 =	sshll.u32 s25, $0x9  }
0x49: {  	[tilespmem:s28], [sflag:$0x2] =	stream.indirect_vreg.gather [hbm4b:s30+s4], $0x80, v2, vm0, $0xb8;
	[tilespmem:$0x1A200] =	vst v63  }
0x4a: {  	s25 =	sshll.u32 s25, $0x7;
	s26 =	sadd.s32 s31, s18  }
0x4b: {  	[tilespmem:s0], [sflag:$0x4] =	stream.linear.gather [hbm4b:s26+s4], $0x4000, $0x38;
	[tilespmem:$0x1A200] =	vst v63  }
0x4c: {  	s25 =	sadd.s32 s25, s19  }
0x4d: {  	[tilespmem:s2], [sflag:$0x4] =	stream.linear.gather [hbm4b:s25+s4], $0x1000, $0x38;
	[tilespmem:$0x1A200] =	vst v63  }
0x4e: {  	_ =	swait.ge [sflag:s8], $0x4000  }
0x4f: {  	[sflag:s8] =	ssyncset.done $0x0  }
0x50: {  	[sflag:s8] =	ssyncadd.s32 $0xFFFFC000  }
0x51: {  	_ =	swait.ge [sflag:s16], $0x4000  }
0x52: {  	[sflag:s16] =	ssyncset.done $0x0  }
0x53: {  	[sflag:s16] =	ssyncadd.s32 $0xFFFFC000  }
0x54: {  	_ =	swait.ge [sflag:s16], $0x1000  }
0x55: {  	p0 =	seq.s32 s23, $0x0;
	[sflag:s16] =	ssyncset.done $0x0  }
0x56: {  	s26 =	simm.s32 @!p0 $0x5;
	[sflag:s16] =	ssyncadd.s32 $0xFFFFF000  }
0x57: {  	s25 =	simm.s32 $0x0;
	_ =	swait.ge @!p0 [sflag:s26], $0x4000  }
0x58: {  	s28 =	sand.u32 $0x7FFFFC00, s25;
	s29 =	sand.u32 $0x70, s25;
	[sflag:s26] =	ssyncset.done @!p0 $0x0  }
0x59: {  	[sflag:s26] =	ssyncadd.s32 @!p0 $0xFFFFC000;
	s26 =	sor.u32 s29, s28  }
0x5a: {  	v4 =	vld [tilespmem:s26+$0x8300]  }
0x5b: {  	s28 =	sshrl.u32 s28, $0x2;
	v5 =	vld [tilespmem:s26+$0x200]  }
0x5c: {  	s28 =	sor.u32 s29, s28;
	v2 =	vld [tilespmem:s26+$0x8380]  }
0x5d: {  	v3 =	vld [tilespmem:s28+$0x10200]  }
0x5e: {  	v6 =	vld [tilespmem:s26+$0x380]  }
0x5f: {  	v7 =	vld [tilespmem:s26+$0x280]  }
0x60: {  	v8 =	vld [tilespmem:s26+$0x8280]  }
0x61: {  	v9 =	vld [tilespmem:s26+$0x8200]  }
0x62: {  	v11 =	vld [tilespmem:s26+$0x300];
	v10 =	vand.u32 $0x1000000, v3  }
0x63: {  	vm1 =	veq.s32 v10, $0x0  }
0x64: {  	v62 =	vand.u32 $0x100, v3;
	v6 =	vsel vm1, v6, v2  }
0x65: {  	v63 =	vand.u32 $0x10000, v3;
	v2 =	vld [tilespmem:s26+$0x8500];
	vm1 =	veq.s32 v62, $0x0;
	[tilespmem:s26+$0x12380] =	vst v6;
	v6 =	vand.u32 $0x1, v3  }
0x66: {  	v7 =	vsel vm1, v7, v8;
	v3 =	vld [tilespmem:s26+$0x8580];
	vm1 =	veq.s32 v63, $0x0;
	vm2 =	veq.s32 v6, $0x0  }
0x67: {  	s29 =	simm.s32 $0x80;
	[tilespmem:s26+$0x12280] =	vst v7;
	v6 =	vsel vm1, v11, v4;
	v4 =	vld [tilespmem:s26+$0x580];
	v5 =	vsel vm2, v5, v9  }
.LBB2_3:
0x68: {  	p1 =	sne.s32 s29, $0x3F80  }
0x69: {  	[tilespmem:s26+$0x12300] =	vst v6;
	v6 =	vld [tilespmem:s26+$0x8480];
	s25 =	sadd.s32 $0x10, s25;
	s30 =	smov.u32 s29;
	s29 =	sadd.s32 $0x80, s29  }
0x6a: {  	s28 =	sadd.s32 $0x10200, s28;
	[tilespmem:s26+$0x12200] =	vst v5;
	v5 =	vld [tilespmem:s26+$0x480]  }
0x6b: {  	v7 =	vld [tilespmem:s28+$0x80]  }
0x6c: {  	v8 =	vld [tilespmem:s26+$0x8400]  }
0x6d: {  	s30 =	sand.u32 $0x7FFFFC00, s30;
	v9 =	vld [tilespmem:s26+$0x400]  }
0x6e: {  	s31 =	sand.u32 $0x70, s25;
	s28 =	sshrl.u32 s30, $0x2;
	v10 =	vld [tilespmem:s26+$0x500]  }
0x6f: {  	s30 =	sor.u32 s31, s30;
	s28 =	sor.u32 s31, s28  }
0x70: {  	v11 =	vld [tilespmem:s30+$0x8300];
	v12 =	vand.u32 $0x1, v7;
	v13 =	vand.u32 $0x100, v7;
	v14 =	vand.u32 $0x10000, v7  }
0x71: {  	v7 =	vand.u32 $0x1000000, v7;
	v15 =	vld [tilespmem:s30+$0x200];
	vm1 =	veq.s32 v12, $0x0;
	vm2 =	veq.s32 v13, $0x0  }
0x72: {  	v12 =	vld [tilespmem:s30+$0x8380];
	v8 =	vsel vm1, v9, v8;
	v5 =	vsel vm2, v5, v6;
	vm1 =	veq.s32 v14, $0x0  }
0x73: {  	v6 =	vld [tilespmem:s30+$0x280];
	[tilespmem:s26+$0x12400] =	vst v8;
	v2 =	vsel vm1, v10, v2;
	vm1 =	veq.s32 v7, $0x0  }
0x74: {  	v7 =	vld [tilespmem:s30+$0x8200];
	[tilespmem:s26+$0x12500] =	vst v2;
	v2 =	vsel vm1, v4, v3  }
0x75: {  	[tilespmem:s26+$0x12580] =	vst v2  }
0x76: {  	[tilespmem:s26+$0x12480] =	vst v5;
	s26 =	smov.u32 s30  }
0x77: {  	v2 =	vld [tilespmem:s28+$0x10200]  }
0x78: {  	v3 =	vld [tilespmem:s26+$0x380]  }
0x79: {  	v4 =	vld [tilespmem:s26+$0x8280]  }
0x7a: {  	v5 =	vld [tilespmem:s26+$0x300];
	_ =	sdelay $0x1  }
.Ltmp0:
0x7b: {  	v8 =	vand.u32 $0x1, v2;
	v9 =	vand.u32 $0x100, v2;
	v10 =	vand.u32 $0x1000000, v2;
	(pc) =	sbr.rel @p1 .LBB2_3-.Ltmp0, $4  }
0x7c: {  	v2 =	vand.u32 $0x10000, v2;
	vm1 =	veq.s32 v9, $0x0;
	vm2 =	veq.s32 v10, $0x0  }
0x7d: {  	v4 =	vsel vm1, v6, v4;
	vm1 =	veq.s32 v2, $0x0;
	v3 =	vsel vm2, v3, v12;
	v2 =	vld [tilespmem:s26+$0x8500]  }
0x7e: {  	vm2 =	veq.s32 v8, $0x0;
	v6 =	vsel vm1, v5, v11;
	[tilespmem:s26+$0x12380] =	vst v3;
	v3 =	vld [tilespmem:s26+$0x8580]  }
0x7f: {  	v5 =	vsel vm2, v15, v7;
	[tilespmem:s26+$0x12280] =	vst v4;
	v4 =	vld [tilespmem:s26+$0x580]  }
0x80: {  	[tilespmem:s26+$0x12300] =	vst v6  }
0x81: {  	s25 =	sadd.s32 $0x10200, s28;
	[tilespmem:s26+$0x12200] =	vst v5  }
0x82: {  	v5 =	vld [tilespmem:s25+$0x80]  }
0x83: {  	v7 =	vld [tilespmem:s26+$0x8400]  }
0x84: {  	v8 =	vld [tilespmem:s26+$0x400]  }
0x85: {  	v9 =	vld [tilespmem:s26+$0x500]  }
0x86: {  	v6 =	vld [tilespmem:s26+$0x8480]  }
0x87: {  	v10 =	vld [tilespmem:s26+$0x480];
	v11 =	vand.u32 $0x1, v5  }
0x88: {  	v12 =	vand.u32 $0x10000, v5;
	vm1 =	veq.s32 v11, $0x0  }
0x89: {  	v58 =	vand.u32 $0x1000000, v5;
	v7 =	vsel vm1, v8, v7;
	vm1 =	veq.s32 v12, $0x0  }
0x8a: {  	v5 =	vand.u32 $0x100, v5;
	[tilespmem:s26+$0x12400] =	vst v7;
	v2 =	vsel vm1, v9, v2;
	vm1 =	veq.s32 v58, $0x0  }
0x8b: {  	s30 =	sadd.s32 s6, s23;
	vm2 =	veq.s32 v5, $0x0;
	[tilespmem:s26+$0x12500] =	vst v2;
	v2 =	vsel vm1, v4, v3  }
0x8c: {  	s31 =	rddreg [dreg:$0x3];
	s25 =	sshll.u32 s30, $0xC;
	v3 =	vsel vm2, v10, v6;
	[tilespmem:s26+$0x12580] =	vst v2  }
0x8d: {  	p1 =	seq.s32 s23, $0x3F;
	[tilespmem:s26+$0x12480] =	vst v3;
	s26 =	sadd.s32 s31, s25  }
0x8e: {  	[hbm4b:s26+s4] =	stream.linear.scatter [tilespmem:s17], [sflag:$0x5], $0x4000, $0x38;
	[tilespmem:$0x1A200] =	vst v63  }
0x8f: {  	v2 =	vld.msk @!p1 [tilespmem:s24+$0x8], $0xff;
	_ =	sdelay $0x4  }
0x90: {  	v3 =	vshll.u32 @!p1 v2, $0x5  }
0x91: {  	v4 =	vlaneseq.u32 @!p1;
	v2 =	vand.u32 @!p1 $0x7, v2;
	v3 =	vand.u32 @!p1 $0xFFFFFF00, v3  }
0x92: {  	v2 =	vor.u32 @!p1 v2, v3;
	v3 =	vand.u32 @!p1 $0x7, v4;
	v4 =	vshrl.u32 @!p1 v4, $0x3  }
0x93: {  	v2 =	vperm.xlane @!p1 v2, v3;
	v3 =	vmul.u32 @!p1 $0x8, v4;
	_ =	sdelay $0x1  }
0x94: {  	v2 =	vadd.s32 @!p1 v3, v2;
	_ =	sdelay $0x3  }
0x95: {  	s28 =	simm.s32 @!p1 $0x8200;
	vm1 =	vmmov @!p1 $0xffff;
	s26 =	simm.s32 @!p1 $0x0  }
0x96: {  	[tilespmem:s28], [sflag:$0x1] =	stream.indirect_vreg.gather @!p1 [hbm4b:s1+s26], $0x80, v2, vm1, $0xb8;
	[tilespmem:$0x1A200] =	vst v63  }
0x97: {  	s28 =	simm.s32 @!p1 $0x8A00  }
0x98: {  	[tilespmem:s28], [sflag:$0x1] =	stream.indirect_vreg.gather @!p1 [hbm4b:s9+s26], $0x80, v2, vm1, $0xb8;
	[tilespmem:$0x1A200] =	vst v63  }
0x99: {  	s28 =	simm.s32 @!p1 $0x9200  }
0x9a: {  	[tilespmem:s28], [sflag:$0x1] =	stream.indirect_vreg.gather @!p1 [hbm4b:s10+s26], $0x80, v2, vm1, $0xb8;
	[tilespmem:$0x1A200] =	vst v63  }
0x9b: {  	s28 =	simm.s32 @!p1 $0x9A00  }
0x9c: {  	[tilespmem:s28], [sflag:$0x1] =	stream.indirect_vreg.gather @!p1 [hbm4b:s11+s26], $0x80, v2, vm1, $0xb8;
	[tilespmem:$0x1A200] =	vst v63  }
0x9d: {  	s28 =	simm.s32 @!p1 $0xA200  }
0x9e: {  	[tilespmem:s28], [sflag:$0x1] =	stream.indirect_vreg.gather @!p1 [hbm4b:s12+s26], $0x80, v2, vm1, $0xb8;
	[tilespmem:$0x1A200] =	vst v63  }
0x9f: {  	s28 =	simm.s32 @!p1 $0xAA00  }
0xa0: {  	[tilespmem:s28], [sflag:$0x1] =	stream.indirect_vreg.gather @!p1 [hbm4b:s13+s26], $0x80, v2, vm1, $0xb8;
	[tilespmem:$0x1A200] =	vst v63  }
0xa1: {  	s24 =	sadd.s32 @!p1 $0x8, s24;
	s28 =	simm.s32 @!p1 $0xB200  }
0xa2: {  	[tilespmem:s28], [sflag:$0x1] =	stream.indirect_vreg.gather @!p1 [hbm4b:s14+s26], $0x80, v2, vm1, $0xb8;
	[tilespmem:$0x1A200] =	vst v63  }
0xa3: {  	s24 =	sadd.s32 @!p1 s5, s24;
	s28 =	simm.s32 @!p1 $0xBA00  }
0xa4: {  	[tilespmem:s28], [sflag:$0x1] =	stream.indirect_vreg.gather @!p1 [hbm4b:s15+s26], $0x80, v2, vm1, $0xb8;
	[tilespmem:$0x1A200] =	vst v63  }
0xa5: {  	s28 =	sshll.u32 @!p1 s24, $0x9  }
0xa6: {  	s29 =	simm.s32 @!p1 $0x200;
	s24 =	sshll.u32 @!p1 s24, $0x7;
	s28 =	sadd.s32 @!p1 s1, s28  }
0xa7: {  	[tilespmem:s29], [sflag:$0x3] =	stream.linear.gather @!p1 [hbm4b:s28+s26], $0x4000, $0x38;
	[tilespmem:$0x1A200] =	vst v63  }
0xa8: {  	s24 =	sadd.s32 @!p1 s7, s24;
	s28 =	simm.s32 @!p1 $0x10200  }
0xa9: {  	[tilespmem:s28], [sflag:$0x3] =	stream.linear.gather @!p1 [hbm4b:s24+s26], $0x1000, $0x38;
	[tilespmem:$0x1A200] =	vst v63  }
0xaa: {  	_ =	swait.ge [sflag:s21], $0x4000  }
0xab: {  	[sflag:s21] =	ssyncset.done $0x0  }
0xac: {  	[sflag:s21] =	ssyncadd.s32 $0xFFFFC000  }
0xad: {  	_ =	swait.ge [sflag:s22], $0x4000  }
0xae: {  	[sflag:s22] =	ssyncset.done $0x0  }
0xaf: {  	[sflag:s22] =	ssyncadd.s32 $0xFFFFC000  }
0xb0: {  	_ =	swait.ge [sflag:s22], $0x1000  }
0xb1: {  	[sflag:s22] =	ssyncset.done $0x0  }
0xb2: {  	s24 =	simm.s32 @!p0 $0x6;
	[sflag:s22] =	ssyncadd.s32 $0xFFFFF000  }
0xb3: {  	s26 =	simm.s32 $0x0;
	_ =	swait.ge @!p0 [sflag:s24], $0x4000  }
0xb4: {  	s28 =	sand.u32 $0x7FFFFC00, s26;
	s29 =	sand.u32 $0x70, s26;
	[sflag:s24] =	ssyncset.done @!p0 $0x0  }
0xb5: {  	[sflag:s24] =	ssyncadd.s32 @!p0 $0xFFFFC000;
	s24 =	sor.u32 s29, s28  }
0xb6: {  	v3 =	vld [tilespmem:s24+$0xC280]  }
0xb7: {  	v2 =	vld [tilespmem:s24+$0xC380]  }
0xb8: {  	v4 =	vld [tilespmem:s24+$0x4280]  }
0xb9: {  	s28 =	sshrl.u32 s28, $0x2;
	v6 =	vld [tilespmem:s24+$0xC300]  }
0xba: {  	s28 =	sor.u32 s29, s28;
	v7 =	vld [tilespmem:s24+$0xC200]  }
0xbb: {  	v5 =	vld [tilespmem:s28+$0x11200]  }
0xbc: {  	v8 =	vld [tilespmem:s24+$0x4380]  }
0xbd: {  	v59 =	vld [tilespmem:s24+$0x4300]  }
0xbe: {  	v60 =	vld [tilespmem:s24+$0x4200];
	_ =	sdelay $0x1  }
0xbf: {  	v61 =	vand.u32 $0x1000000, v5;
	v62 =	vand.u32 $0x1, v5;
	v63 =	vand.u32 $0x100, v5  }
0xc0: {  	v5 =	vand.u32 $0x10000, v5;
	vm1 =	veq.s32 v61, $0x0;
	vm2 =	veq.s32 v63, $0x0  }
0xc1: {  	vm3 =	veq.s32 v5, $0x0;
	v8 =	vsel vm1, v8, v2;
	v2 =	vld [tilespmem:s24+$0xC580];
	vm1 =	veq.s32 v62, $0x0  }
0xc2: {  	s29 =	simm.s32 $0x80;
	v4 =	vsel vm2, v4, v3;
	v6 =	vsel vm3, v59, v6;
	v3 =	vld [tilespmem:s24+$0x4580];
	[tilespmem:s24+$0x16380] =	vst v8;
	v5 =	vsel vm1, v60, v7  }
.LBB2_5:
0xc3: {  	p0 =	sne.s32 s29, $0x3F80  }
0xc4: {  	[tilespmem:s24+$0x16300] =	vst v6;
	v6 =	vld [tilespmem:s24+$0xC500];
	s26 =	sadd.s32 $0x10, s26;
	s30 =	smov.u32 s29;
	s29 =	sadd.s32 $0x80, s29  }
0xc5: {  	[tilespmem:s24+$0x16200] =	vst v5;
	v5 =	vld [tilespmem:s24+$0x4500]  }
0xc6: {  	[tilespmem:s24+$0x16280] =	vst v4;
	v4 =	vld [tilespmem:s24+$0xC480]  }
0xc7: {  	v7 =	vld [tilespmem:s28+$0x11280]  }
0xc8: {  	s30 =	sand.u32 $0x7FFFFC00, s30;
	v8 =	vld [tilespmem:s24+$0xC400]  }
0xc9: {  	s31 =	sand.u32 $0x70, s26;
	s28 =	sshrl.u32 s30, $0x2;
	v9 =	vld [tilespmem:s24+$0x4400]  }
0xca: {  	s30 =	sor.u32 s31, s30;
	s28 =	sor.u32 s31, s28;
	v10 =	vld [tilespmem:s24+$0x4480]  }
0xcb: {  	v11 =	vld [tilespmem:s30+$0xC280]  }
0xcc: {  	v12 =	vld [tilespmem:s30+$0xC380];
	v13 =	vand.u32 $0x1, v7;
	v14 =	vand.u32 $0x100, v7;
	v15 =	vand.u32 $0x10000, v7  }
0xcd: {  	v7 =	vand.u32 $0x1000000, v7;
	v16 =	vld [tilespmem:s30+$0x4280];
	vm1 =	veq.s32 v13, $0x0;
	vm2 =	veq.s32 v14, $0x0  }
0xce: {  	vm3 =	veq.s32 v7, $0x0;
	v13 =	vld [tilespmem:s30+$0xC300];
	v8 =	vsel vm1, v9, v8;
	vm1 =	veq.s32 v15, $0x0  }
0xcf: {  	v2 =	vsel vm3, v3, v2;
	v7 =	vld [tilespmem:s30+$0xC200];
	[tilespmem:s24+$0x16400] =	vst v8;
	v4 =	vsel vm2, v10, v4;
	v5 =	vsel vm1, v5, v6  }
0xd0: {  	[tilespmem:s24+$0x16500] =	vst v5  }
0xd1: {  	[tilespmem:s24+$0x16580] =	vst v2  }
0xd2: {  	v3 =	vld [tilespmem:s30+$0x4300];
	[tilespmem:s24+$0x16480] =	vst v4;
	s24 =	smov.u32 s30  }
0xd3: {  	v2 =	vld [tilespmem:s28+$0x11200];
	_ =	sdelay $0x1  }
0xd4: {  	v4 =	vld [tilespmem:s24+$0x4380]  }
0xd5: {  	v5 =	vld [tilespmem:s24+$0x4200]  }
.Ltmp1:
0xd6: {  	(pc) =	sbr.rel @p0 .LBB2_5-.Ltmp1, $4  }
0xd7: {  	v6 =	vand.u32 $0x1, v2;
	v8 =	vand.u32 $0x100, v2;
	v9 =	vand.u32 $0x1000000, v2  }
0xd8: {  	v2 =	vand.u32 $0x10000, v2;
	vm1 =	veq.s32 v6, $0x0;
	vm2 =	veq.s32 v9, $0x0  }
0xd9: {  	vm3 =	veq.s32 v8, $0x0;
	vm4 =	veq.s32 v2, $0x0;
	v8 =	vsel vm2, v4, v12;
	v2 =	vld [tilespmem:s24+$0xC580]  }
0xda: {  	v4 =	vsel vm3, v16, v11;
	v6 =	vsel vm4, v3, v13;
	v5 =	vsel vm1, v5, v7;
	[tilespmem:s24+$0x16380] =	vst v8;
	v3 =	vld [tilespmem:s24+$0x4580]  }
0xdb: {  	[tilespmem:s24+$0x16300] =	vst v6  }
0xdc: {  	[tilespmem:s24+$0x16200] =	vst v5  }
0xdd: {  	v61 =	vld [tilespmem:s24+$0xC500];
	[tilespmem:s24+$0x16280] =	vst v4  }
0xde: {  	v4 =	vld [tilespmem:s28+$0x11280]  }
0xdf: {  	v7 =	vld [tilespmem:s24+$0xC400]  }
0xe0: {  	v8 =	vld [tilespmem:s24+$0x4400]  }
0xe1: {  	v62 =	vld [tilespmem:s24+$0x4500]  }
0xe2: {  	v9 =	vld [tilespmem:s24+$0xC480]  }
0xe3: {  	v10 =	vld [tilespmem:s24+$0x4480];
	v11 =	vand.u32 $0x1, v4  }
0xe4: {  	s23 =	sadd.s32 $0x1, s23;
	v63 =	vand.u32 $0x1000000, v4;
	vm1 =	veq.s32 v11, $0x0  }
0xe5: {  	p0 =	sne.s32 s23, $0x40;
	v12 =	vand.u32 $0x10000, v4;
	vm2 =	veq.s32 v63, $0x0;
	v7 =	vsel vm1, v8, v7  }
.Ltmp2:
0xe6: {  	v4 =	vand.u32 $0x100, v4;
	vm1 =	veq.s32 v12, $0x0;
	v2 =	vsel vm2, v3, v2;
	[tilespmem:s24+$0x16400] =	vst v7;
	(pc) =	sbr.rel @p0 .LBB2_2-.Ltmp2, $4  }
0xe7: {  	v5 =	vsel vm1, v62, v61;
	vm1 =	veq.s32 v4, $0x0;
	[tilespmem:s24+$0x16580] =	vst v2  }
0xe8: {  	[tilespmem:s24+$0x16500] =	vst v5;
	v3 =	vsel vm1, v10, v9  }
0xe9: {  	s31 =	sadd.s32 s25, s20;
	[tilespmem:s24+$0x16480] =	vst v3  }
0xea: {  	[hbm4b:s31+s4] =	stream.linear.scatter [tilespmem:s3], [sflag:$0x6], $0x4000, $0x38;
	[tilespmem:$0x1A200] =	vst v63  }
0xeb: {  	s23 =	simm.s32 $0x5  }
0xec: {  	_ =	swait.ge [sflag:s23], $0x4000  }
0xed: {  	[sflag:s23] =	ssyncset.done $0x0  }
0xee: {  	s24 =	simm.s32 $0x6;
	[sflag:s23] =	ssyncadd.s32 $0xFFFFC000  }
0xef: {  	_ =	swait.ge [sflag:s24], $0x4000  }
0xf0: {  	s25 =	rddreg [dreg:$0x9]  }
0xf1: {  	s31 =	rddreg [dreg:$0x8];
	s25 =	sadd.s32 $0x1, s25  }
0xf2: {  	p0 =	sne.s32 s25, s31  }
.Ltmp3:
0xf3: {  	_ = 	snop;
	(pc) =	sbr.rel @p0 .LBB2_1-.Ltmp3, $3  }
0xf4: {  	_ =	sdelay $0x1  }
0xf5: {  	[sflag:s24] =	ssyncset.done $0x0  }
0xf6: {  	[sflag:s24] =	ssyncadd.s32 $0xFFFFC000  }
0xf7: {  	_ =	sfence.sel $0x180000  }
0xf8: {  	[bflag:$0x0] =	sbarrier.arrive $0xFFFF  }
0xf9: {  	_ =	strace $0x90000047  }
0xfa: {  	s0 =	stileid.u32;
	[bflag:$0x2] =	sbarrier.arrive $0xFFFF  }
0xfb: {  	p0 =	sne.s32 s0, $0x0;
	s0 =	rddreg [dreg:$0x4]  }
0xfc: {  	s0 =	sadd.s32 @!p0 $0x100000, s0  }
0xfd: {  	[sflag:s0] =	ssyncadd.tile.s32 @!p0 $0x1;
	_ =	shalt  }
.Lfunc_end2:
_tile_overlayer_lowered:
.L_overlay_start_2:
0xfe: {  	(tag) =	ssettag $0x2  }
0xff: {  	s0 =	rddreg [dreg:$0x0];
	s2 =	stileid.u32  }
0x100: {  	s1 =	rddreg [dreg:$0x1];
	p0 =	sne.s32 s2, $0x0  }
0x101: {  	s3 =	rddreg [dreg:$0x2];
	[bflag:$0x3] =	sbarrier.arrive $0xFFFF;
	s2 =	simm.s32 @!p0 $0x1C07  }
0x102: {  	[timem:s3], [sflag:s2] =	dma.local @!p0 [hbm:s0], s1  }
0x103: {  	s0 =	simm.s32 @!p0 $0x7  }
0x104: {  	_ =	swait.ge @!p0 [sflag:s0], s1  }
0x105: {  	s1 =	ssub.s32 @!p0 $0x0, s1;
	[sflag:s0] =	ssyncset.done @!p0 $0x0  }
0x106: {  	[sflag:s0] =	ssyncadd.s32 @!p0 s1  }
0x107: {  	[bflag:$0x3] =	sbarrier.arrive $0xFFFF  }
0x108: {  	_ =	shalt  }

</sc_bundles>
